<compile_context>
chip_gen: v7x
topology: tpu7x:2x2x1
jax: 0.10.2.dev20260603
libtpu: 0.0.44.dev20260713+nightly
codegen_flags: <defaults>
</compile_context>

<pallas_src>
import functools

import jax
import jax.numpy as jnp
from jax import lax
from jax.experimental import pallas as pl
from jax.experimental.pallas import tpu as pltpu
from jax.experimental.pallas import tpu_sc as plsc

N_EV = 8192
N_T = 4096
SIZE = 1024
OUT_DIM = 512

NC, NS, L = 2, 16, 16
HALF = OUT_DIM // NC
EV_PER_TILE = N_EV // NS
CH = 64
NCH = EV_PER_TILE // CH
ROWS_PAD = N_T + 8


_CB = 2048
_TB = 512


def _counts_body(times_ref, t_ref, out_ref):
    tc = times_ref[...]
    ones = jnp.ones((_TB, 8), jnp.bfloat16)

    parts = []
    for i in range(N_T // _TB):
        tr = t_ref[pl.ds(i, 1), :]
        m = (tr < tc).astype(jnp.bfloat16)
        parts.append(jax.lax.dot_general(
            m, ones, (((1,), (0,)), ((), ())),
            preferred_element_type=jnp.float32))
    acc = parts[0]
    for p in parts[1:]:
        acc = acc + p
    out_ref[...] = acc[:, :1].astype(jnp.int32)


def _counts(times_col, t2d):
    nblk = times_col.shape[0] // _CB
    return pl.pallas_call(
        _counts_body,
        grid=(nblk,),
        in_specs=[
            pl.BlockSpec((_CB, 1), lambda i: (i, 0)),
            pl.BlockSpec((8, _TB), lambda i: (0, 0)),
        ],
        out_specs=pl.BlockSpec((_CB, 1), lambda i: (i, 0)),
        out_shape=jax.ShapeDtypeStruct((times_col.shape[0], 1), jnp.int32),
    )(times_col, t2d)



CE = 1024
NCHK = N_EV // CE
ACC_ROWS = N_T + 8


def _sc_body(kk_hbm, rate_hbm, idx_hbm, w_hbm, out_hbm,
             kk_v, idx_v, rate_v, gpos, acc_v, sem):
    c = lax.axis_index("c")
    s = lax.axis_index("s")
    w = c * NS + s
    woff = jnp.full((L,), w, jnp.int32)

    def zrow(k8, _):
        for d in range(8):
            acc_v[k8 * 8 + d, :] = jnp.zeros((L,), jnp.float32)
        return 0
    lax.fori_loop(0, ACC_ROWS // 8, zrow, 0)

    def load_meta(j, b0):
        e0 = j * CE
        pltpu.sync_copy(kk_hbm.at[pl.ds(e0, CE)], kk_v.at[pl.ds(b0, CE)])
        pltpu.sync_copy(idx_hbm.at[pl.ds(e0, CE)], idx_v.at[pl.ds(b0, CE)])
        pltpu.sync_copy(rate_hbm.at[pl.ds(e0, CE)], rate_v.at[pl.ds(b0, CE)])

        def adj(g, _):
            idx_v[pl.ds(b0 + g * L, L)] = idx_v[pl.ds(b0 + g * L, L)] + woff
            return 0
        lax.fori_loop(0, CE // L, adj, 0)

    def start_gather(b0):
        return pltpu.async_copy(
            w_hbm.at[idx_v.at[pl.ds(b0, CE)]],
            gpos.at[pl.ds(b0, CE), :], sem)

    load_meta(0, 0)
    start_gather(0)

    def chunk(j, _):
        b0 = (j % 2) * CE
        bn = CE - b0
        pltpu.make_async_copy(
            w_hbm.at[idx_v.at[pl.ds(b0, CE)]],
            gpos.at[pl.ds(b0, CE), :], sem).wait()

        @pl.when(j < NCHK - 1)
        def _():
            load_meta(j + 1, bn)
            start_gather(bn)

        iota = lax.iota(jnp.int32, L)

        def scale_ev(i4, _):
            segs, rss, kbs, ebs = [], [], [], []
            for d in range(8):
                i = b0 + i4 * 8 + d
                bi = jnp.full((L,), i, jnp.int32)
                rss.append(plsc.load_gather(rate_v, [bi]))
                kkb = plsc.load_gather(kk_v, [bi])
                kbs.append(kkb & 0x1FFF)
                ebs.append(kkb >> 13)
                segs.append(gpos[i, :])
            for d in range(8):
                plsc.addupdate_scatter(acc_v, [kbs[d], iota], segs[d] * rss[d])
            for d in range(8):
                plsc.addupdate_scatter(acc_v, [ebs[d], iota],
                                       segs[d] * (-rss[d]))
            return 0
        lax.fori_loop(0, CE // 8, scale_ev, 0)
        return 0
    lax.fori_loop(0, NCHK, chunk, 0)

    def csum(k8, a):
        for d in range(8):
            a = a + acc_v[k8 * 8 + d, :]
            acc_v[k8 * 8 + d, :] = a
        return a
    lax.fori_loop(0, N_T // 8, csum, jnp.zeros((L,), jnp.float32))

    pltpu.sync_copy(acc_v.at[pl.ds(0, N_T)], out_hbm.at[:, pl.ds(w * L, L)])


@functools.cache
def _sc_call():
    return pl.kernel(
        _sc_body,
        out_type=jax.ShapeDtypeStruct((N_T, OUT_DIM), jnp.float32),
        mesh=plsc.VectorSubcoreMesh(core_axis_name="c", subcore_axis_name="s",
                                    num_cores=NC, num_subcores=NS),
        scratch_types=[
            pltpu.VMEM((2 * CE,), jnp.int32),
            pltpu.VMEM((2 * CE,), jnp.int32),
            pltpu.VMEM((2 * CE,), jnp.float32),
            pltpu.VMEM((2 * CE, L), jnp.float32),
            pltpu.VMEM((ACC_ROWS, L), jnp.float32),
            pltpu.SemaphoreType.DMA,
        ],
        compiler_params=pltpu.CompilerParams(needs_layout_passes=False,
                                             use_tc_tiling_on_sc=False),
    )


def kernel(rate, starttime, endtime, t_query, W, index):
    times_col = jnp.concatenate([starttime, endtime]).reshape(-1, 1)
    t2d = t_query.reshape(8, N_T // 8)
    counts = _counts(times_col, t2d)[:, 0]

    kk = counts[:N_EV] + (counts[N_EV:] << 13)
    idx = index.astype(jnp.int32) * (NC * NS)
    ws = W.reshape(SIZE * NC * NS, L)

    return _sc_call()(kk, rate, idx, ws)

# --- scband reference (transcript-rebuilt; emitter-appended) ---
"""Pipeline reference for scband-inpatient-segmented-input-82729660056120 (READ-ONLY COPY).

The authoritative reference and input builder live on the scoring server;
editing this copy changes nothing except your own understanding.
"""

import jax, jax.numpy as jnp
import numpy as np

N_EVENTS = 8192
N_SEGMENTS = 4096
SIZE = 1024
OUT_DIM = 512


def setup_inputs(seed: int = 0) -> dict:
    key = jax.random.key(seed)
    k1, k2, k3, k4, k5, k6 = jax.random.split(key, 6)
    index = jax.random.randint(k1, (N_EVENTS,), 0, SIZE)
    rate = jax.random.uniform(k2, (N_EVENTS,), dtype=jnp.float32)
    starttime = jax.random.uniform(k3, (N_EVENTS,), dtype=jnp.float32) * 72.0
    duration = jax.random.uniform(k4, (N_EVENTS,), dtype=jnp.float32) * 12.0 + 0.1
    endtime = starttime + duration
    t_query = jax.random.uniform(k5, (N_SEGMENTS,), dtype=jnp.float32) * 84.0
    W = jax.random.normal(k6, (SIZE, OUT_DIM), dtype=jnp.float32) / np.sqrt(SIZE)
    return {"rate": rate, "starttime": starttime, "endtime": endtime,
            "t_query": t_query, "W": W, "index": index}


def reference(rate, starttime, endtime, t_query, W, index):
    # Segmented inpatient input pipeline, vectorized over all jump-time segments.
    # 1) sort jump times (InpatientSegmentedInput.from_input builds sorted segments)
    t = jnp.sort(t_query)  # [T]
    # 2) InpatientInput.__call__(t): active-event mask per segment start time
    mask = (starttime[None, :] <= t[:, None]) & (t[:, None] < endtime[None, :])  # [T, N]
    vals = jnp.where(mask, rate[None, :], 0.0)  # [T, N]
    # 3) scatter-add active rates into the code-space vector (adm_input.at[index].add(rate))
    seg_input = jax.ops.segment_sum(vals.T, index, num_segments=SIZE).T  # [T, SIZE]
    # 4) AggregateRepresentation with WeightedSum aggregators -> dense linear aggregation
    out = seg_input @ W  # [T, OUT_DIM]
    return out

if __name__ == "__main__":
    import jax
    _d = setup_inputs()
    print(jax.jit(kernel)(*tuple(_d.values())))

</pallas_src>

<mosaic_0001>
#map = affine_map<(d0, d1) -> (0)>
#map1 = affine_map<(d0, d1) -> (0, 0)>
module attributes {stable_mosaic.version = 14 : i64} {
  func.func @_sc_body(%arg0: i32, %arg1: i32, %arg2: memref<8192xi32, #tpu.memory_space<hbm>>, %arg3: memref<8192xf32, #tpu.memory_space<hbm>>, %arg4: memref<8192xi32, #tpu.memory_space<hbm>>, %arg5: memref<32768x16xf32, #tpu.memory_space<hbm>>, %arg6: memref<4096x512xf32, #tpu.memory_space<hbm>>, %arg7: memref<2048xi32, #tpu.memory_space<vmem>>, %arg8: memref<2048xi32, #tpu.memory_space<vmem>>, %arg9: memref<2048xf32, #tpu.memory_space<vmem>>, %arg10: memref<2048x16xf32, #tpu.memory_space<vmem>>, %arg11: memref<4104x16xf32, #tpu.memory_space<vmem>>, %arg12: memref<!tpu.dma_semaphore, #tpu.memory_space<semaphore_mem>>) attributes {dimension_semantics = [#tpu.dimension_semantics<core_parallel>, #tpu.dimension_semantics<subcore_parallel>], iteration_bounds = array<i64: 2, 16>, scalar_prefetch = 0 : i64, scratch_operands = 6 : i64, tpu.core_type = #tpu.core_type<sc_vector_subcore>, window_params = [{transform_indices = #map}, {transform_indices = #map}, {transform_indices = #map}, {transform_indices = #map1}, {transform_indices = #map1}]} {
    %mul3A = arith.constant 16 : i32
    %mul3A_0 = arith.muli %arg0, %mul3A : i32
    %add3A = arith.addi %mul3A_0, %arg1 : i32
    %broadcast_in_dim3A = vector.broadcast %add3A : i32 to vector<16xi32>
    %scan3A = arith.constant 0 : i32
    %scan3A_1 = arith.constant 0 : i32
    %scan3A_2 = arith.constant 513 : i32
    %scan3A_3 = arith.addi %scan3A_1, %scan3A_2 : i32
    %scan3A_4 = arith.constant 1 : i32
    %scan3A_5 = scf.for %scan3A_38 = %scan3A_1 to %scan3A_3 step %scan3A_4 iter_args(%scan3A_39 = %scan3A) -> (i32)  : i32 {
      %broadcast_in_dim3A_40 = arith.constant 0.000000e+00 : f32
      %broadcast_in_dim3A_41 = vector.broadcast %broadcast_in_dim3A_40 : f32 to vector<16xf32>
      %mul3A_42 = arith.constant 8 : i32
      %mul3A_43 = arith.muli %scan3A_38, %mul3A_42 : i32
      %add3A_44 = arith.constant 0 : i32
      %add3A_45 = arith.addi %mul3A_43, %add3A_44 : i32
      %swap3A = arith.index_cast %add3A_45 : i32 to index
      %swap3A_46 = arith.constant 0 : index
      %swap3A_47 = tpu.vector_load %arg11[%swap3A, %swap3A_46] {strides = array<i32>} : memref<4104x16xf32, #tpu.memory_space<vmem>>, vector<16xf32>,
      tpu.vector_store %arg11[%swap3A, %swap3A_46], %broadcast_in_dim3A_41 {strides = array<i32>} : memref<4104x16xf32, #tpu.memory_space<vmem>>, vector<16xf32>,
      %broadcast_in_dim3A_48 = arith.constant 0.000000e+00 : f32
      %broadcast_in_dim3A_49 = vector.broadcast %broadcast_in_dim3A_48 : f32 to vector<16xf32>
      %mul3A_50 = arith.constant 8 : i32
      %mul3A_51 = arith.muli %scan3A_38, %mul3A_50 : i32
      %add3A_52 = arith.constant 1 : i32
      %add3A_53 = arith.addi %mul3A_51, %add3A_52 : i32
      %swap3A_54 = arith.index_cast %add3A_53 : i32 to index
      %swap3A_55 = arith.constant 0 : index
      %swap3A_56 = tpu.vector_load %arg11[%swap3A_54, %swap3A_55] {strides = array<i32>} : memref<4104x16xf32, #tpu.memory_space<vmem>>, vector<16xf32>,
      tpu.vector_store %arg11[%swap3A_54, %swap3A_55], %broadcast_in_dim3A_49 {strides = array<i32>} : memref<4104x16xf32, #tpu.memory_space<vmem>>, vector<16xf32>,
      %broadcast_in_dim3A_57 = arith.constant 0.000000e+00 : f32
      %broadcast_in_dim3A_58 = vector.broadcast %broadcast_in_dim3A_57 : f32 to vector<16xf32>
      %mul3A_59 = arith.constant 8 : i32
      %mul3A_60 = arith.muli %scan3A_38, %mul3A_59 : i32
      %add3A_61 = arith.constant 2 : i32
      %add3A_62 = arith.addi %mul3A_60, %add3A_61 : i32
      %swap3A_63 = arith.index_cast %add3A_62 : i32 to index
      %swap3A_64 = arith.constant 0 : index
      %swap3A_65 = tpu.vector_load %arg11[%swap3A_63, %swap3A_64] {strides = array<i32>} : memref<4104x16xf32, #tpu.memory_space<vmem>>, vector<16xf32>,
      tpu.vector_store %arg11[%swap3A_63, %swap3A_64], %broadcast_in_dim3A_58 {strides = array<i32>} : memref<4104x16xf32, #tpu.memory_space<vmem>>, vector<16xf32>,
      %broadcast_in_dim3A_66 = arith.constant 0.000000e+00 : f32
      %broadcast_in_dim3A_67 = vector.broadcast %broadcast_in_dim3A_66 : f32 to vector<16xf32>
      %mul3A_68 = arith.constant 8 : i32
      %mul3A_69 = arith.muli %scan3A_38, %mul3A_68 : i32
      %add3A_70 = arith.constant 3 : i32
      %add3A_71 = arith.addi %mul3A_69, %add3A_70 : i32
      %swap3A_72 = arith.index_cast %add3A_71 : i32 to index
      %swap3A_73 = arith.constant 0 : index
      %swap3A_74 = tpu.vector_load %arg11[%swap3A_72, %swap3A_73] {strides = array<i32>} : memref<4104x16xf32, #tpu.memory_space<vmem>>, vector<16xf32>,
      tpu.vector_store %arg11[%swap3A_72, %swap3A_73], %broadcast_in_dim3A_67 {strides = array<i32>} : memref<4104x16xf32, #tpu.memory_space<vmem>>, vector<16xf32>,
      %broadcast_in_dim3A_75 = arith.constant 0.000000e+00 : f32
      %broadcast_in_dim3A_76 = vector.broadcast %broadcast_in_dim3A_75 : f32 to vector<16xf32>
      %mul3A_77 = arith.constant 8 : i32
      %mul3A_78 = arith.muli %scan3A_38, %mul3A_77 : i32
      %add3A_79 = arith.constant 4 : i32
      %add3A_80 = arith.addi %mul3A_78, %add3A_79 : i32
      %swap3A_81 = arith.index_cast %add3A_80 : i32 to index
      %swap3A_82 = arith.constant 0 : index
      %swap3A_83 = tpu.vector_load %arg11[%swap3A_81, %swap3A_82] {strides = array<i32>} : memref<4104x16xf32, #tpu.memory_space<vmem>>, vector<16xf32>,
      tpu.vector_store %arg11[%swap3A_81, %swap3A_82], %broadcast_in_dim3A_76 {strides = array<i32>} : memref<4104x16xf32, #tpu.memory_space<vmem>>, vector<16xf32>,
      %broadcast_in_dim3A_84 = arith.constant 0.000000e+00 : f32
      %broadcast_in_dim3A_85 = vector.broadcast %broadcast_in_dim3A_84 : f32 to vector<16xf32>
      %mul3A_86 = arith.constant 8 : i32
      %mul3A_87 = arith.muli %scan3A_38, %mul3A_86 : i32
      %add3A_88 = arith.constant 5 : i32
      %add3A_89 = arith.addi %mul3A_87, %add3A_88 : i32
      %swap3A_90 = arith.index_cast %add3A_89 : i32 to index
      %swap3A_91 = arith.constant 0 : index
      %swap3A_92 = tpu.vector_load %arg11[%swap3A_90, %swap3A_91] {strides = array<i32>} : memref<4104x16xf32, #tpu.memory_space<vmem>>, vector<16xf32>,
      tpu.vector_store %arg11[%swap3A_90, %swap3A_91], %broadcast_in_dim3A_85 {strides = array<i32>} : memref<4104x16xf32, #tpu.memory_space<vmem>>, vector<16xf32>,
      %broadcast_in_dim3A_93 = arith.constant 0.000000e+00 : f32
      %broadcast_in_dim3A_94 = vector.broadcast %broadcast_in_dim3A_93 : f32 to vector<16xf32>
      %mul3A_95 = arith.constant 8 : i32
      %mul3A_96 = arith.muli %scan3A_38, %mul3A_95 : i32
      %add3A_97 = arith.constant 6 : i32
      %add3A_98 = arith.addi %mul3A_96, %add3A_97 : i32
      %swap3A_99 = arith.index_cast %add3A_98 : i32 to index
      %swap3A_100 = arith.constant 0 : index
      %swap3A_101 = tpu.vector_load %arg11[%swap3A_99, %swap3A_100] {strides = array<i32>} : memref<4104x16xf32, #tpu.memory_space<vmem>>, vector<16xf32>,
      tpu.vector_store %arg11[%swap3A_99, %swap3A_100], %broadcast_in_dim3A_94 {strides = array<i32>} : memref<4104x16xf32, #tpu.memory_space<vmem>>, vector<16xf32>,
      %broadcast_in_dim3A_102 = arith.constant 0.000000e+00 : f32
      %broadcast_in_dim3A_103 = vector.broadcast %broadcast_in_dim3A_102 : f32 to vector<16xf32>
      %mul3A_104 = arith.constant 8 : i32
      %mul3A_105 = arith.muli %scan3A_38, %mul3A_104 : i32
      %add3A_106 = arith.constant 7 : i32
      %add3A_107 = arith.addi %mul3A_105, %add3A_106 : i32
      %swap3A_108 = arith.index_cast %add3A_107 : i32 to index
      %swap3A_109 = arith.constant 0 : index
      %swap3A_110 = tpu.vector_load %arg11[%swap3A_108, %swap3A_109] {strides = array<i32>} : memref<4104x16xf32, #tpu.memory_space<vmem>>, vector<16xf32>,
      tpu.vector_store %arg11[%swap3A_108, %swap3A_109], %broadcast_in_dim3A_103 {strides = array<i32>} : memref<4104x16xf32, #tpu.memory_space<vmem>>, vector<16xf32>,
      %scan3A_111 = arith.constant 0 : i32
      scf.yield %scan3A_111 : i32
    }
    %scan3A_6 = arith.constant 513 : i32
    "tpu.region"() ({
      %run_scoped3A = tpu.sem_alloc : memref<!tpu.dma_semaphore, #tpu.memory_space<semaphore_mem>>
      %dma_start3A_38 = arith.constant 0 : i32
      %dma_start3A_39 = tpu.memref_slice %arg7[%dma_start3A_38] : memref<2048xi32, #tpu.memory_space<vmem>> -> memref<1024xi32, #tpu.memory_space<vmem>>
      %dma_start3A_40 = arith.constant 0 : i32
      %dma_start3A_41 = tpu.memref_slice %arg2[%dma_start3A_40] : memref<8192xi32, #tpu.memory_space<hbm>> -> memref<1024xi32, #tpu.memory_space<hbm>>
      %dma_start3A_42 = arith.constant 0 : i32
      %dma_start3A_43 = tpu.memref_slice %arg7[%dma_start3A_42] : memref<2048xi32, #tpu.memory_space<vmem>> -> memref<1024xi32, #tpu.memory_space<vmem>>
      %dma_start3A_44 = arith.constant 0 : i32
      %dma_start3A_45 = tpu.memref_slice %arg2[%dma_start3A_44] : memref<8192xi32, #tpu.memory_space<hbm>> -> memref<1024xi32, #tpu.memory_space<hbm>>
      tpu.enqueue_dma source(%dma_start3A_45 : memref<1024xi32, #tpu.memory_space<hbm>>) target(%dma_start3A_43 : memref<1024xi32, #tpu.memory_space<vmem>>) target_semaphore(%run_scoped3A : memref<!tpu.dma_semaphore, #tpu.memory_space<semaphore_mem>>)
      %dma_wait3A = arith.constant 0 : i32
      %dma_wait3A_46 = tpu.memref_slice %arg7[%dma_wait3A] : memref<2048xi32, #tpu.memory_space<vmem>> -> memref<1024xi32, #tpu.memory_space<vmem>>
      %dma_wait3A_47 = arith.constant 0 : i32
      %dma_wait3A_48 = tpu.memref_slice %arg2[%dma_wait3A_47] : memref<8192xi32, #tpu.memory_space<hbm>> -> memref<1024xi32, #tpu.memory_space<hbm>>
      %dma_wait3A_49 = arith.constant 0 : i32
      %dma_wait3A_50 = tpu.memref_slice %arg7[%dma_wait3A_49] : memref<2048xi32, #tpu.memory_space<vmem>> -> memref<1024xi32, #tpu.memory_space<vmem>>
      %dma_wait3A_51 = arith.constant 0 : i32
      %dma_wait3A_52 = tpu.memref_slice %arg2[%dma_wait3A_51] : memref<8192xi32, #tpu.memory_space<hbm>> -> memref<1024xi32, #tpu.memory_space<hbm>>
      tpu.wait_dma2 semaphore(%run_scoped3A : memref<!tpu.dma_semaphore, #tpu.memory_space<semaphore_mem>>) src(%dma_wait3A_52 : memref<1024xi32, #tpu.memory_space<hbm>>) dst(%dma_wait3A_50 : memref<1024xi32, #tpu.memory_space<vmem>>)
      tpu.yield
    }) : () -> ()
    "tpu.region"() ({
      %run_scoped3A = tpu.sem_alloc : memref<!tpu.dma_semaphore, #tpu.memory_space<semaphore_mem>>
      %dma_start3A_38 = arith.constant 0 : i32
      %dma_start3A_39 = tpu.memref_slice %arg8[%dma_start3A_38] : memref<2048xi32, #tpu.memory_space<vmem>> -> memref<1024xi32, #tpu.memory_space<vmem>>
      %dma_start3A_40 = arith.constant 0 : i32
      %dma_start3A_41 = tpu.memref_slice %arg4[%dma_start3A_40] : memref<8192xi32, #tpu.memory_space<hbm>> -> memref<1024xi32, #tpu.memory_space<hbm>>
      %dma_start3A_42 = arith.constant 0 : i32
      %dma_start3A_43 = tpu.memref_slice %arg8[%dma_start3A_42] : memref<2048xi32, #tpu.memory_space<vmem>> -> memref<1024xi32, #tpu.memory_space<vmem>>
      %dma_start3A_44 = arith.constant 0 : i32
      %dma_start3A_45 = tpu.memref_slice %arg4[%dma_start3A_44] : memref<8192xi32, #tpu.memory_space<hbm>> -> memref<1024xi32, #tpu.memory_space<hbm>>
      tpu.enqueue_dma source(%dma_start3A_45 : memref<1024xi32, #tpu.memory_space<hbm>>) target(%dma_start3A_43 : memref<1024xi32, #tpu.memory_space<vmem>>) target_semaphore(%run_scoped3A : memref<!tpu.dma_semaphore, #tpu.memory_space<semaphore_mem>>)
      %dma_wait3A = arith.constant 0 : i32
      %dma_wait3A_46 = tpu.memref_slice %arg8[%dma_wait3A] : memref<2048xi32, #tpu.memory_space<vmem>> -> memref<1024xi32, #tpu.memory_space<vmem>>
      %dma_wait3A_47 = arith.constant 0 : i32
      %dma_wait3A_48 = tpu.memref_slice %arg4[%dma_wait3A_47] : memref<8192xi32, #tpu.memory_space<hbm>> -> memref<1024xi32, #tpu.memory_space<hbm>>
      %dma_wait3A_49 = arith.constant 0 : i32
      %dma_wait3A_50 = tpu.memref_slice %arg8[%dma_wait3A_49] : memref<2048xi32, #tpu.memory_space<vmem>> -> memref<1024xi32, #tpu.memory_space<vmem>>
      %dma_wait3A_51 = arith.constant 0 : i32
      %dma_wait3A_52 = tpu.memref_slice %arg4[%dma_wait3A_51] : memref<8192xi32, #tpu.memory_space<hbm>> -> memref<1024xi32, #tpu.memory_space<hbm>>
      tpu.wait_dma2 semaphore(%run_scoped3A : memref<!tpu.dma_semaphore, #tpu.memory_space<semaphore_mem>>) src(%dma_wait3A_52 : memref<1024xi32, #tpu.memory_space<hbm>>) dst(%dma_wait3A_50 : memref<1024xi32, #tpu.memory_space<vmem>>)
      tpu.yield
    }) : () -> ()
    "tpu.region"() ({
      %run_scoped3A = tpu.sem_alloc : memref<!tpu.dma_semaphore, #tpu.memory_space<semaphore_mem>>
      %dma_start3A_38 = arith.constant 0 : i32
      %dma_start3A_39 = tpu.memref_slice %arg9[%dma_start3A_38] : memref<2048xf32, #tpu.memory_space<vmem>> -> memref<1024xf32, #tpu.memory_space<vmem>>
      %dma_start3A_40 = arith.constant 0 : i32
      %dma_start3A_41 = tpu.memref_slice %arg3[%dma_start3A_40] : memref<8192xf32, #tpu.memory_space<hbm>> -> memref<1024xf32, #tpu.memory_space<hbm>>
      %dma_start3A_42 = arith.constant 0 : i32
      %dma_start3A_43 = tpu.memref_slice %arg9[%dma_start3A_42] : memref<2048xf32, #tpu.memory_space<vmem>> -> memref<1024xf32, #tpu.memory_space<vmem>>
      %dma_start3A_44 = arith.constant 0 : i32
      %dma_start3A_45 = tpu.memref_slice %arg3[%dma_start3A_44] : memref<8192xf32, #tpu.memory_space<hbm>> -> memref<1024xf32, #tpu.memory_space<hbm>>
      tpu.enqueue_dma source(%dma_start3A_45 : memref<1024xf32, #tpu.memory_space<hbm>>) target(%dma_start3A_43 : memref<1024xf32, #tpu.memory_space<vmem>>) target_semaphore(%run_scoped3A : memref<!tpu.dma_semaphore, #tpu.memory_space<semaphore_mem>>)
      %dma_wait3A = arith.constant 0 : i32
      %dma_wait3A_46 = tpu.memref_slice %arg9[%dma_wait3A] : memref<2048xf32, #tpu.memory_space<vmem>> -> memref<1024xf32, #tpu.memory_space<vmem>>
      %dma_wait3A_47 = arith.constant 0 : i32
      %dma_wait3A_48 = tpu.memref_slice %arg3[%dma_wait3A_47] : memref<8192xf32, #tpu.memory_space<hbm>> -> memref<1024xf32, #tpu.memory_space<hbm>>
      %dma_wait3A_49 = arith.constant 0 : i32
      %dma_wait3A_50 = tpu.memref_slice %arg9[%dma_wait3A_49] : memref<2048xf32, #tpu.memory_space<vmem>> -> memref<1024xf32, #tpu.memory_space<vmem>>
      %dma_wait3A_51 = arith.constant 0 : i32
      %dma_wait3A_52 = tpu.memref_slice %arg3[%dma_wait3A_51] : memref<8192xf32, #tpu.memory_space<hbm>> -> memref<1024xf32, #tpu.memory_space<hbm>>
      tpu.wait_dma2 semaphore(%run_scoped3A : memref<!tpu.dma_semaphore, #tpu.memory_space<semaphore_mem>>) src(%dma_wait3A_52 : memref<1024xf32, #tpu.memory_space<hbm>>) dst(%dma_wait3A_50 : memref<1024xf32, #tpu.memory_space<vmem>>)
      tpu.yield
    }) : () -> ()
    %scan3A_7 = arith.constant 0 : i32
    %scan3A_8 = arith.constant 0 : i32
    %scan3A_9 = arith.constant 64 : i32
    %scan3A_10 = arith.addi %scan3A_8, %scan3A_9 : i32
    %scan3A_11 = arith.constant 1 : i32
    %scan3A_12 = scf.for %scan3A_38 = %scan3A_8 to %scan3A_10 step %scan3A_11 iter_args(%scan3A_39 = %scan3A_7) -> (i32)  : i32 {
      %mul3A_40 = arith.constant 16 : i32
      %mul3A_41 = arith.muli %scan3A_38, %mul3A_40 : i32
      %add3A_42 = arith.constant 0 : i32
      %add3A_43 = arith.addi %add3A_42, %mul3A_41 : i32
      %get3A = arith.index_cast %add3A_43 : i32 to index
      %get3A_44 = tpu.vector_load %arg8[%get3A] {strides = array<i32>} : memref<2048xi32, #tpu.memory_space<vmem>>, vector<16xi32>,
      %add3A_45 = arith.addi %get3A_44, %broadcast_in_dim3A : vector<16xi32>
      %mul3A_46 = arith.constant 16 : i32
      %mul3A_47 = arith.muli %scan3A_38, %mul3A_46 : i32
      %add3A_48 = arith.constant 0 : i32
      %add3A_49 = arith.addi %add3A_48, %mul3A_47 : i32
      %swap3A = arith.index_cast %add3A_49 : i32 to index
      %swap3A_50 = tpu.vector_load %arg8[%swap3A] {strides = array<i32>} : memref<2048xi32, #tpu.memory_space<vmem>>, vector<16xi32>,
      tpu.vector_store %arg8[%swap3A], %add3A_45 {strides = array<i32>} : memref<2048xi32, #tpu.memory_space<vmem>>, vector<16xi32>,
      %scan3A_51 = arith.constant 0 : i32
      scf.yield %scan3A_51 : i32
    }
    %scan3A_13 = arith.constant 64 : i32
    %dma_start3A = arith.constant 0 : i32
    %dma_start3A_14 = arith.constant 0 : i32
    %dma_start3A_15 = tpu.memref_slice %arg10[%dma_start3A, %dma_start3A_14] : memref<2048x16xf32, #tpu.memory_space<vmem>> -> memref<1024x16xf32, #tpu.memory_space<vmem>>
    %dma_start3A_16 = arith.constant 0 : i32
    %dma_start3A_17 = tpu.memref_slice %arg8[%dma_start3A_16] : memref<2048xi32, #tpu.memory_space<vmem>> -> memref<1024xi32, #tpu.memory_space<vmem>>
    %dma_start3A_18 = arith.constant 0 : i32
    %dma_start3A_19 = arith.constant 0 : i32
    %dma_start3A_20 = tpu.memref_slice %arg5[%dma_start3A_18, %dma_start3A_19] : memref<32768x16xf32, #tpu.memory_space<hbm>> -> memref<32768x16xf32, #tpu.memory_space<hbm>>
    tpu.enqueue_indirect_dma source(%dma_start3A_20 : memref<32768x16xf32, #tpu.memory_space<hbm>>) target(%dma_start3A_15 : memref<1024x16xf32, #tpu.memory_space<vmem>>) offsets(%dma_start3A_17 : memref<1024xi32, #tpu.memory_space<vmem>>) semaphore(%arg12 : memref<!tpu.dma_semaphore, #tpu.memory_space<semaphore_mem>>)
    %scan3A_21 = arith.constant 0 : i32
    %scan3A_22 = arith.constant 0 : i32
    %scan3A_23 = arith.constant 8 : i32
    %scan3A_24 = arith.addi %scan3A_22, %scan3A_23 : i32
    %scan3A_25 = arith.constant 1 : i32
    %scan3A_26 = scf.for %scan3A_38 = %scan3A_22 to %scan3A_24 step %scan3A_25 iter_args(%scan3A_39 = %scan3A_21) -> (i32)  : i32 {
      %jit3A = arith.constant 2 : i32
      %eq3A = arith.constant 0 : i32
      %eq3A_40 = arith.cmpi eq, %jit3A, %eq3A : i32
      %jit3A_41 = arith.constant 1 : i32
      %select_n3A = arith.select %eq3A_40, %jit3A_41, %jit3A : i32
      %rem3A = arith.remsi %scan3A_38, %select_n3A : i32
      %ne3A = arith.constant 0 : i32
      %ne3A_42 = arith.cmpi ne, %rem3A, %ne3A : i32
      %lt3A = arith.constant 0 : i32
      %lt3A_43 = arith.cmpi slt, %rem3A, %lt3A : i32
      %lt3A_44 = arith.constant 0 : i32
      %lt3A_45 = arith.cmpi slt, %select_n3A, %lt3A_44 : i32
      %ne3A_46 = arith.xori %lt3A_43, %lt3A_45 : i1
      %and3A = arith.andi %ne3A_46, %ne3A_42 : i1
      %add3A_47 = arith.addi %rem3A, %select_n3A : i32
      %select_n3A_48 = arith.select %and3A, %add3A_47, %rem3A : i32
      %mul3A_49 = arith.constant 1024 : i32
      %mul3A_50 = arith.muli %select_n3A_48, %mul3A_49 : i32
      %sub3A = arith.constant 1024 : i32
      %sub3A_51 = arith.subi %sub3A, %mul3A_50 : i32
      %dma_wait3A = arith.constant 0 : i32
      %dma_wait3A_52 = tpu.memref_slice %arg10[%mul3A_50, %dma_wait3A] : memref<2048x16xf32, #tpu.memory_space<vmem>> -> memref<1024x16xf32, #tpu.memory_space<vmem>>
      %dma_wait3A_53 = tpu.memref_slice %arg8[%mul3A_50] : memref<2048xi32, #tpu.memory_space<vmem>> -> memref<1024xi32, #tpu.memory_space<vmem>>
      %dma_wait3A_54 = arith.constant 0 : i32
      %dma_wait3A_55 = arith.constant 0 : i32
      %dma_wait3A_56 = tpu.memref_slice %arg5[%dma_wait3A_54, %dma_wait3A_55] : memref<32768x16xf32, #tpu.memory_space<hbm>> -> memref<32768x16xf32, #tpu.memory_space<hbm>>
      tpu.wait_indirect_dma semaphore(%arg12 : memref<!tpu.dma_semaphore, #tpu.memory_space<semaphore_mem>>) src(%dma_wait3A_56 : memref<32768x16xf32, #tpu.memory_space<hbm>>) dst(%dma_wait3A_52 : memref<1024x16xf32, #tpu.memory_space<vmem>>)
      %lt3A_57 = arith.constant 7 : i32
      %lt3A_58 = arith.cmpi slt, %scan3A_38, %lt3A_57 : i32
      %convert_element_type3A = arith.extui %lt3A_58 : i1 to i32
      %cond3A = arith.constant 0 : i32
      %cond3A_59 = arith.cmpi ne, %convert_element_type3A, %cond3A : i32
      scf.if %cond3A_59 {
        %add3A_68 = arith.constant 1 : i32
        %add3A_69 = arith.addi %scan3A_38, %add3A_68 : i32
        %mul3A_70 = arith.constant 1024 : i32
        %mul3A_71 = arith.muli %add3A_69, %mul3A_70 : i32
        "tpu.region"() ({
          %run_scoped3A = tpu.sem_alloc : memref<!tpu.dma_semaphore, #tpu.memory_space<semaphore_mem>>
          %dma_start3A_85 = tpu.memref_slice %arg7[%sub3A_51] : memref<2048xi32, #tpu.memory_space<vmem>> -> memref<1024xi32, #tpu.memory_space<vmem>>
          %dma_start3A_86 = tpu.memref_slice %arg2[%mul3A_71] : memref<8192xi32, #tpu.memory_space<hbm>> -> memref<1024xi32, #tpu.memory_space<hbm>>
          %dma_start3A_87 = tpu.memref_slice %arg7[%sub3A_51] : memref<2048xi32, #tpu.memory_space<vmem>> -> memref<1024xi32, #tpu.memory_space<vmem>>
          %dma_start3A_88 = tpu.memref_slice %arg2[%mul3A_71] : memref<8192xi32, #tpu.memory_space<hbm>> -> memref<1024xi32, #tpu.memory_space<hbm>>
          tpu.enqueue_dma source(%dma_start3A_88 : memref<1024xi32, #tpu.memory_space<hbm>>) target(%dma_start3A_87 : memref<1024xi32, #tpu.memory_space<vmem>>) target_semaphore(%run_scoped3A : memref<!tpu.dma_semaphore, #tpu.memory_space<semaphore_mem>>)
          %dma_wait3A_89 = tpu.memref_slice %arg7[%sub3A_51] : memref<2048xi32, #tpu.memory_space<vmem>> -> memref<1024xi32, #tpu.memory_space<vmem>>
          %dma_wait3A_90 = tpu.memref_slice %arg2[%mul3A_71] : memref<8192xi32, #tpu.memory_space<hbm>> -> memref<1024xi32, #tpu.memory_space<hbm>>
          %dma_wait3A_91 = tpu.memref_slice %arg7[%sub3A_51] : memref<2048xi32, #tpu.memory_space<vmem>> -> memref<1024xi32, #tpu.memory_space<vmem>>
          %dma_wait3A_92 = tpu.memref_slice %arg2[%mul3A_71] : memref<8192xi32, #tpu.memory_space<hbm>> -> memref<1024xi32, #tpu.memory_space<hbm>>
          tpu.wait_dma2 semaphore(%run_scoped3A : memref<!tpu.dma_semaphore, #tpu.memory_space<semaphore_mem>>) src(%dma_wait3A_92 : memref<1024xi32, #tpu.memory_space<hbm>>) dst(%dma_wait3A_91 : memref<1024xi32, #tpu.memory_space<vmem>>)
          tpu.yield
        }) : () -> ()
        "tpu.region"() ({
          %run_scoped3A = tpu.sem_alloc : memref<!tpu.dma_semaphore, #tpu.memory_space<semaphore_mem>>
          %dma_start3A_85 = tpu.memref_slice %arg8[%sub3A_51] : memref<2048xi32, #tpu.memory_space<vmem>> -> memref<1024xi32, #tpu.memory_space<vmem>>
          %dma_start3A_86 = tpu.memref_slice %arg4[%mul3A_71] : memref<8192xi32, #tpu.memory_space<hbm>> -> memref<1024xi32, #tpu.memory_space<hbm>>
          %dma_start3A_87 = tpu.memref_slice %arg8[%sub3A_51] : memref<2048xi32, #tpu.memory_space<vmem>> -> memref<1024xi32, #tpu.memory_space<vmem>>
          %dma_start3A_88 = tpu.memref_slice %arg4[%mul3A_71] : memref<8192xi32, #tpu.memory_space<hbm>> -> memref<1024xi32, #tpu.memory_space<hbm>>
          tpu.enqueue_dma source(%dma_start3A_88 : memref<1024xi32, #tpu.memory_space<hbm>>) target(%dma_start3A_87 : memref<1024xi32, #tpu.memory_space<vmem>>) target_semaphore(%run_scoped3A : memref<!tpu.dma_semaphore, #tpu.memory_space<semaphore_mem>>)
          %dma_wait3A_89 = tpu.memref_slice %arg8[%sub3A_51] : memref<2048xi32, #tpu.memory_space<vmem>> -> memref<1024xi32, #tpu.memory_space<vmem>>
          %dma_wait3A_90 = tpu.memref_slice %arg4[%mul3A_71] : memref<8192xi32, #tpu.memory_space<hbm>> -> memref<1024xi32, #tpu.memory_space<hbm>>
          %dma_wait3A_91 = tpu.memref_slice %arg8[%sub3A_51] : memref<2048xi32, #tpu.memory_space<vmem>> -> memref<1024xi32, #tpu.memory_space<vmem>>
          %dma_wait3A_92 = tpu.memref_slice %arg4[%mul3A_71] : memref<8192xi32, #tpu.memory_space<hbm>> -> memref<1024xi32, #tpu.memory_space<hbm>>
          tpu.wait_dma2 semaphore(%run_scoped3A : memref<!tpu.dma_semaphore, #tpu.memory_space<semaphore_mem>>) src(%dma_wait3A_92 : memref<1024xi32, #tpu.memory_space<hbm>>) dst(%dma_wait3A_91 : memref<1024xi32, #tpu.memory_space<vmem>>)
          tpu.yield
        }) : () -> ()
        "tpu.region"() ({
          %run_scoped3A = tpu.sem_alloc : memref<!tpu.dma_semaphore, #tpu.memory_space<semaphore_mem>>
          %dma_start3A_85 = tpu.memref_slice %arg9[%sub3A_51] : memref<2048xf32, #tpu.memory_space<vmem>> -> memref<1024xf32, #tpu.memory_space<vmem>>
          %dma_start3A_86 = tpu.memref_slice %arg3[%mul3A_71] : memref<8192xf32, #tpu.memory_space<hbm>> -> memref<1024xf32, #tpu.memory_space<hbm>>
          %dma_start3A_87 = tpu.memref_slice %arg9[%sub3A_51] : memref<2048xf32, #tpu.memory_space<vmem>> -> memref<1024xf32, #tpu.memory_space<vmem>>
          %dma_start3A_88 = tpu.memref_slice %arg3[%mul3A_71] : memref<8192xf32, #tpu.memory_space<hbm>> -> memref<1024xf32, #tpu.memory_space<hbm>>
          tpu.enqueue_dma source(%dma_start3A_88 : memref<1024xf32, #tpu.memory_space<hbm>>) target(%dma_start3A_87 : memref<1024xf32, #tpu.memory_space<vmem>>) target_semaphore(%run_scoped3A : memref<!tpu.dma_semaphore, #tpu.memory_space<semaphore_mem>>)
          %dma_wait3A_89 = tpu.memref_slice %arg9[%sub3A_51] : memref<2048xf32, #tpu.memory_space<vmem>> -> memref<1024xf32, #tpu.memory_space<vmem>>
          %dma_wait3A_90 = tpu.memref_slice %arg3[%mul3A_71] : memref<8192xf32, #tpu.memory_space<hbm>> -> memref<1024xf32, #tpu.memory_space<hbm>>
          %dma_wait3A_91 = tpu.memref_slice %arg9[%sub3A_51] : memref<2048xf32, #tpu.memory_space<vmem>> -> memref<1024xf32, #tpu.memory_space<vmem>>
          %dma_wait3A_92 = tpu.memref_slice %arg3[%mul3A_71] : memref<8192xf32, #tpu.memory_space<hbm>> -> memref<1024xf32, #tpu.memory_space<hbm>>
          tpu.wait_dma2 semaphore(%run_scoped3A : memref<!tpu.dma_semaphore, #tpu.memory_space<semaphore_mem>>) src(%dma_wait3A_92 : memref<1024xf32, #tpu.memory_space<hbm>>) dst(%dma_wait3A_91 : memref<1024xf32, #tpu.memory_space<vmem>>)
          tpu.yield
        }) : () -> ()
        %scan3A_72 = arith.constant 0 : i32
        %scan3A_73 = arith.constant 0 : i32
        %scan3A_74 = arith.constant 64 : i32
        %scan3A_75 = arith.addi %scan3A_73, %scan3A_74 : i32
        %scan3A_76 = arith.constant 1 : i32
        %scan3A_77 = scf.for %scan3A_85 = %scan3A_73 to %scan3A_75 step %scan3A_76 iter_args(%scan3A_86 = %scan3A_72) -> (i32)  : i32 {
          %mul3A_87 = arith.constant 16 : i32
          %mul3A_88 = arith.muli %scan3A_85, %mul3A_87 : i32
          %add3A_89 = arith.addi %sub3A_51, %mul3A_88 : i32
          %get3A = arith.index_cast %add3A_89 : i32 to index
          %get3A_90 = tpu.vector_load %arg8[%get3A] {strides = array<i32>} : memref<2048xi32, #tpu.memory_space<vmem>>, vector<16xi32>,
          %add3A_91 = arith.addi %get3A_90, %broadcast_in_dim3A : vector<16xi32>
          %mul3A_92 = arith.constant 16 : i32
          %mul3A_93 = arith.muli %scan3A_85, %mul3A_92 : i32
          %add3A_94 = arith.addi %sub3A_51, %mul3A_93 : i32
          %swap3A = arith.index_cast %add3A_94 : i32 to index
          %swap3A_95 = tpu.vector_load %arg8[%swap3A] {strides = array<i32>} : memref<2048xi32, #tpu.memory_space<vmem>>, vector<16xi32>,
          tpu.vector_store %arg8[%swap3A], %add3A_91 {strides = array<i32>} : memref<2048xi32, #tpu.memory_space<vmem>>, vector<16xi32>,
          %scan3A_96 = arith.constant 0 : i32
          scf.yield %scan3A_96 : i32
        }
        %scan3A_78 = arith.constant 64 : i32
        %dma_start3A_79 = arith.constant 0 : i32
        %dma_start3A_80 = tpu.memref_slice %arg10[%sub3A_51, %dma_start3A_79] : memref<2048x16xf32, #tpu.memory_space<vmem>> -> memref<1024x16xf32, #tpu.memory_space<vmem>>
        %dma_start3A_81 = tpu.memref_slice %arg8[%sub3A_51] : memref<2048xi32, #tpu.memory_space<vmem>> -> memref<1024xi32, #tpu.memory_space<vmem>>
        %dma_start3A_82 = arith.constant 0 : i32
        %dma_start3A_83 = arith.constant 0 : i32
        %dma_start3A_84 = tpu.memref_slice %arg5[%dma_start3A_82, %dma_start3A_83] : memref<32768x16xf32, #tpu.memory_space<hbm>> -> memref<32768x16xf32, #tpu.memory_space<hbm>>
        tpu.enqueue_indirect_dma source(%dma_start3A_84 : memref<32768x16xf32, #tpu.memory_space<hbm>>) target(%dma_start3A_80 : memref<1024x16xf32, #tpu.memory_space<vmem>>) offsets(%dma_start3A_81 : memref<1024xi32, #tpu.memory_space<vmem>>) semaphore(%arg12 : memref<!tpu.dma_semaphore, #tpu.memory_space<semaphore_mem>>)
      } else {
      }
      %iota3A = tpu.iota {dimensions = array<i32: 0>} : vector<16xi32>
      %scan3A_60 = arith.constant 0 : i32
      %scan3A_61 = arith.constant 0 : i32
      %scan3A_62 = arith.constant 128 : i32
      %scan3A_63 = arith.addi %scan3A_61, %scan3A_62 : i32
      %scan3A_64 = arith.constant 1 : i32
      %scan3A_65 = scf.for %scan3A_68 = %scan3A_61 to %scan3A_63 step %scan3A_64 iter_args(%scan3A_69 = %scan3A_60) -> (i32)  : i32 {
        %mul3A_70 = arith.constant 8 : i32
        %mul3A_71 = arith.muli %scan3A_68, %mul3A_70 : i32
        %add3A_72 = arith.addi %mul3A_50, %mul3A_71 : i32
        %add3A_73 = arith.constant 0 : i32
        %add3A_74 = arith.addi %add3A_72, %add3A_73 : i32
        %broadcast_in_dim3A_75 = vector.broadcast %add3A_74 : i32 to vector<16xi32>
        %gather3A = tpu.vector_load_idx %arg9[%broadcast_in_dim3A_75] : memref<2048xf32, #tpu.memory_space<vmem>>[vector<16xi32>], vector<16xf32>,
        %gather3A_76 = tpu.vector_load_idx %arg7[%broadcast_in_dim3A_75] : memref<2048xi32, #tpu.memory_space<vmem>>[vector<16xi32>], vector<16xi32>,
        %and3A_77 = arith.constant 8191 : i32
        %and3A_78 = vector.broadcast %and3A_77 : i32 to vector<16xi32>
        %and3A_79 = arith.andi %gather3A_76, %and3A_78 : vector<16xi32>
        %shift_right_arithmetic3A = arith.constant 13 : i32
        %shift_right_arithmetic3A_80 = vector.broadcast %shift_right_arithmetic3A : i32 to vector<16xi32>
        %shift_right_arithmetic3A_81 = arith.shrsi %gather3A_76, %shift_right_arithmetic3A_80 : vector<16xi32>
        %get3A = arith.index_cast %add3A_74 : i32 to index
        %get3A_82 = arith.constant 0 : index
        %get3A_83 = tpu.vector_load %arg10[%get3A, %get3A_82] {strides = array<i32>} : memref<2048x16xf32, #tpu.memory_space<vmem>>, vector<16xf32>,
        %mul3A_84 = arith.constant 8 : i32
        %mul3A_85 = arith.muli %scan3A_68, %mul3A_84 : i32
        %add3A_86 = arith.addi %mul3A_50, %mul3A_85 : i32
        %add3A_87 = arith.constant 1 : i32
        %add3A_88 = arith.addi %add3A_86, %add3A_87 : i32
        %broadcast_in_dim3A_89 = vector.broadcast %add3A_88 : i32 to vector<16xi32>
        %gather3A_90 = tpu.vector_load_idx %arg9[%broadcast_in_dim3A_89] : memref<2048xf32, #tpu.memory_space<vmem>>[vector<16xi32>], vector<16xf32>,
        %gather3A_91 = tpu.vector_load_idx %arg7[%broadcast_in_dim3A_89] : memref<2048xi32, #tpu.memory_space<vmem>>[vector<16xi32>], vector<16xi32>,
        %and3A_92 = arith.constant 8191 : i32
        %and3A_93 = vector.broadcast %and3A_92 : i32 to vector<16xi32>
        %and3A_94 = arith.andi %gather3A_91, %and3A_93 : vector<16xi32>
        %shift_right_arithmetic3A_95 = arith.constant 13 : i32
        %shift_right_arithmetic3A_96 = vector.broadcast %shift_right_arithmetic3A_95 : i32 to vector<16xi32>
        %shift_right_arithmetic3A_97 = arith.shrsi %gather3A_91, %shift_right_arithmetic3A_96 : vector<16xi32>
        %get3A_98 = arith.index_cast %add3A_88 : i32 to index
        %get3A_99 = arith.constant 0 : index
        %get3A_100 = tpu.vector_load %arg10[%get3A_98, %get3A_99] {strides = array<i32>} : memref<2048x16xf32, #tpu.memory_space<vmem>>, vector<16xf32>,
        %mul3A_101 = arith.constant 8 : i32
        %mul3A_102 = arith.muli %scan3A_68, %mul3A_101 : i32
        %add3A_103 = arith.addi %mul3A_50, %mul3A_102 : i32
        %add3A_104 = arith.constant 2 : i32
        %add3A_105 = arith.addi %add3A_103, %add3A_104 : i32
        %broadcast_in_dim3A_106 = vector.broadcast %add3A_105 : i32 to vector<16xi32>
        %gather3A_107 = tpu.vector_load_idx %arg9[%broadcast_in_dim3A_106] : memref<2048xf32, #tpu.memory_space<vmem>>[vector<16xi32>], vector<16xf32>,
        %gather3A_108 = tpu.vector_load_idx %arg7[%broadcast_in_dim3A_106] : memref<2048xi32, #tpu.memory_space<vmem>>[vector<16xi32>], vector<16xi32>,
        %and3A_109 = arith.constant 8191 : i32
        %and3A_110 = vector.broadcast %and3A_109 : i32 to vector<16xi32>
        %and3A_111 = arith.andi %gather3A_108, %and3A_110 : vector<16xi32>
        %shift_right_arithmetic3A_112 = arith.constant 13 : i32
        %shift_right_arithmetic3A_113 = vector.broadcast %shift_right_arithmetic3A_112 : i32 to vector<16xi32>
        %shift_right_arithmetic3A_114 = arith.shrsi %gather3A_108, %shift_right_arithmetic3A_113 : vector<16xi32>
        %get3A_115 = arith.index_cast %add3A_105 : i32 to index
        %get3A_116 = arith.constant 0 : index
        %get3A_117 = tpu.vector_load %arg10[%get3A_115, %get3A_116] {strides = array<i32>} : memref<2048x16xf32, #tpu.memory_space<vmem>>, vector<16xf32>,
        %mul3A_118 = arith.constant 8 : i32
        %mul3A_119 = arith.muli %scan3A_68, %mul3A_118 : i32
        %add3A_120 = arith.addi %mul3A_50, %mul3A_119 : i32
        %add3A_121 = arith.constant 3 : i32
        %add3A_122 = arith.addi %add3A_120, %add3A_121 : i32
        %broadcast_in_dim3A_123 = vector.broadcast %add3A_122 : i32 to vector<16xi32>
        %gather3A_124 = tpu.vector_load_idx %arg9[%broadcast_in_dim3A_123] : memref<2048xf32, #tpu.memory_space<vmem>>[vector<16xi32>], vector<16xf32>,
        %gather3A_125 = tpu.vector_load_idx %arg7[%broadcast_in_dim3A_123] : memref<2048xi32, #tpu.memory_space<vmem>>[vector<16xi32>], vector<16xi32>,
        %and3A_126 = arith.constant 8191 : i32
        %and3A_127 = vector.broadcast %and3A_126 : i32 to vector<16xi32>
        %and3A_128 = arith.andi %gather3A_125, %and3A_127 : vector<16xi32>
        %shift_right_arithmetic3A_129 = arith.constant 13 : i32
        %shift_right_arithmetic3A_130 = vector.broadcast %shift_right_arithmetic3A_129 : i32 to vector<16xi32>
        %shift_right_arithmetic3A_131 = arith.shrsi %gather3A_125, %shift_right_arithmetic3A_130 : vector<16xi32>
        %get3A_132 = arith.index_cast %add3A_122 : i32 to index
        %get3A_133 = arith.constant 0 : index
        %get3A_134 = tpu.vector_load %arg10[%get3A_132, %get3A_133] {strides = array<i32>} : memref<2048x16xf32, #tpu.memory_space<vmem>>, vector<16xf32>,
        %mul3A_135 = arith.constant 8 : i32
        %mul3A_136 = arith.muli %scan3A_68, %mul3A_135 : i32
        %add3A_137 = arith.addi %mul3A_50, %mul3A_136 : i32
        %add3A_138 = arith.constant 4 : i32
        %add3A_139 = arith.addi %add3A_137, %add3A_138 : i32
        %broadcast_in_dim3A_140 = vector.broadcast %add3A_139 : i32 to vector<16xi32>
        %gather3A_141 = tpu.vector_load_idx %arg9[%broadcast_in_dim3A_140] : memref<2048xf32, #tpu.memory_space<vmem>>[vector<16xi32>], vector<16xf32>,
        %gather3A_142 = tpu.vector_load_idx %arg7[%broadcast_in_dim3A_140] : memref<2048xi32, #tpu.memory_space<vmem>>[vector<16xi32>], vector<16xi32>,
        %and3A_143 = arith.constant 8191 : i32
        %and3A_144 = vector.broadcast %and3A_143 : i32 to vector<16xi32>
        %and3A_145 = arith.andi %gather3A_142, %and3A_144 : vector<16xi32>
        %shift_right_arithmetic3A_146 = arith.constant 13 : i32
        %shift_right_arithmetic3A_147 = vector.broadcast %shift_right_arithmetic3A_146 : i32 to vector<16xi32>
        %shift_right_arithmetic3A_148 = arith.shrsi %gather3A_142, %shift_right_arithmetic3A_147 : vector<16xi32>
        %get3A_149 = arith.index_cast %add3A_139 : i32 to index
        %get3A_150 = arith.constant 0 : index
        %get3A_151 = tpu.vector_load %arg10[%get3A_149, %get3A_150] {strides = array<i32>} : memref<2048x16xf32, #tpu.memory_space<vmem>>, vector<16xf32>,
        %mul3A_152 = arith.constant 8 : i32
        %mul3A_153 = arith.muli %scan3A_68, %mul3A_152 : i32
        %add3A_154 = arith.addi %mul3A_50, %mul3A_153 : i32
        %add3A_155 = arith.constant 5 : i32
        %add3A_156 = arith.addi %add3A_154, %add3A_155 : i32
        %broadcast_in_dim3A_157 = vector.broadcast %add3A_156 : i32 to vector<16xi32>
        %gather3A_158 = tpu.vector_load_idx %arg9[%broadcast_in_dim3A_157] : memref<2048xf32, #tpu.memory_space<vmem>>[vector<16xi32>], vector<16xf32>,
        %gather3A_159 = tpu.vector_load_idx %arg7[%broadcast_in_dim3A_157] : memref<2048xi32, #tpu.memory_space<vmem>>[vector<16xi32>], vector<16xi32>,
        %and3A_160 = arith.constant 8191 : i32
        %and3A_161 = vector.broadcast %and3A_160 : i32 to vector<16xi32>
        %and3A_162 = arith.andi %gather3A_159, %and3A_161 : vector<16xi32>
        %shift_right_arithmetic3A_163 = arith.constant 13 : i32
        %shift_right_arithmetic3A_164 = vector.broadcast %shift_right_arithmetic3A_163 : i32 to vector<16xi32>
        %shift_right_arithmetic3A_165 = arith.shrsi %gather3A_159, %shift_right_arithmetic3A_164 : vector<16xi32>
        %get3A_166 = arith.index_cast %add3A_156 : i32 to index
        %get3A_167 = arith.constant 0 : index
        %get3A_168 = tpu.vector_load %arg10[%get3A_166, %get3A_167] {strides = array<i32>} : memref<2048x16xf32, #tpu.memory_space<vmem>>, vector<16xf32>,
        %mul3A_169 = arith.constant 8 : i32
        %mul3A_170 = arith.muli %scan3A_68, %mul3A_169 : i32
        %add3A_171 = arith.addi %mul3A_50, %mul3A_170 : i32
        %add3A_172 = arith.constant 6 : i32
        %add3A_173 = arith.addi %add3A_171, %add3A_172 : i32
        %broadcast_in_dim3A_174 = vector.broadcast %add3A_173 : i32 to vector<16xi32>
        %gather3A_175 = tpu.vector_load_idx %arg9[%broadcast_in_dim3A_174] : memref<2048xf32, #tpu.memory_space<vmem>>[vector<16xi32>], vector<16xf32>,
        %gather3A_176 = tpu.vector_load_idx %arg7[%broadcast_in_dim3A_174] : memref<2048xi32, #tpu.memory_space<vmem>>[vector<16xi32>], vector<16xi32>,
        %and3A_177 = arith.constant 8191 : i32
        %and3A_178 = vector.broadcast %and3A_177 : i32 to vector<16xi32>
        %and3A_179 = arith.andi %gather3A_176, %and3A_178 : vector<16xi32>
        %shift_right_arithmetic3A_180 = arith.constant 13 : i32
        %shift_right_arithmetic3A_181 = vector.broadcast %shift_right_arithmetic3A_180 : i32 to vector<16xi32>
        %shift_right_arithmetic3A_182 = arith.shrsi %gather3A_176, %shift_right_arithmetic3A_181 : vector<16xi32>
        %get3A_183 = arith.index_cast %add3A_173 : i32 to index
        %get3A_184 = arith.constant 0 : index
        %get3A_185 = tpu.vector_load %arg10[%get3A_183, %get3A_184] {strides = array<i32>} : memref<2048x16xf32, #tpu.memory_space<vmem>>, vector<16xf32>,
        %mul3A_186 = arith.constant 8 : i32
        %mul3A_187 = arith.muli %scan3A_68, %mul3A_186 : i32
        %add3A_188 = arith.addi %mul3A_50, %mul3A_187 : i32
        %add3A_189 = arith.constant 7 : i32
        %add3A_190 = arith.addi %add3A_188, %add3A_189 : i32
        %broadcast_in_dim3A_191 = vector.broadcast %add3A_190 : i32 to vector<16xi32>
        %gather3A_192 = tpu.vector_load_idx %arg9[%broadcast_in_dim3A_191] : memref<2048xf32, #tpu.memory_space<vmem>>[vector<16xi32>], vector<16xf32>,
        %gather3A_193 = tpu.vector_load_idx %arg7[%broadcast_in_dim3A_191] : memref<2048xi32, #tpu.memory_space<vmem>>[vector<16xi32>], vector<16xi32>,
        %and3A_194 = arith.constant 8191 : i32
        %and3A_195 = vector.broadcast %and3A_194 : i32 to vector<16xi32>
        %and3A_196 = arith.andi %gather3A_193, %and3A_195 : vector<16xi32>
        %shift_right_arithmetic3A_197 = arith.constant 13 : i32
        %shift_right_arithmetic3A_198 = vector.broadcast %shift_right_arithmetic3A_197 : i32 to vector<16xi32>
        %shift_right_arithmetic3A_199 = arith.shrsi %gather3A_193, %shift_right_arithmetic3A_198 : vector<16xi32>
        %get3A_200 = arith.index_cast %add3A_190 : i32 to index
        %get3A_201 = arith.constant 0 : index
        %get3A_202 = tpu.vector_load %arg10[%get3A_200, %get3A_201] {strides = array<i32>} : memref<2048x16xf32, #tpu.memory_space<vmem>>, vector<16xf32>,
        %mul3A_203 = arith.mulf %get3A_83, %gather3A : vector<16xf32>
        tpu.vector_store_idx %arg11[%and3A_79, %iota3A], %mul3A_203 {add = true} : memref<4104x16xf32, #tpu.memory_space<vmem>>[vector<16xi32>, vector<16xi32>], vector<16xf32>,
        %mul3A_204 = arith.mulf %get3A_100, %gather3A_90 : vector<16xf32>
        tpu.vector_store_idx %arg11[%and3A_94, %iota3A], %mul3A_204 {add = true} : memref<4104x16xf32, #tpu.memory_space<vmem>>[vector<16xi32>, vector<16xi32>], vector<16xf32>,
        %mul3A_205 = arith.mulf %get3A_117, %gather3A_107 : vector<16xf32>
        tpu.vector_store_idx %arg11[%and3A_111, %iota3A], %mul3A_205 {add = true} : memref<4104x16xf32, #tpu.memory_space<vmem>>[vector<16xi32>, vector<16xi32>], vector<16xf32>,
        %mul3A_206 = arith.mulf %get3A_134, %gather3A_124 : vector<16xf32>
        tpu.vector_store_idx %arg11[%and3A_128, %iota3A], %mul3A_206 {add = true} : memref<4104x16xf32, #tpu.memory_space<vmem>>[vector<16xi32>, vector<16xi32>], vector<16xf32>,
        %mul3A_207 = arith.mulf %get3A_151, %gather3A_141 : vector<16xf32>
        tpu.vector_store_idx %arg11[%and3A_145, %iota3A], %mul3A_207 {add = true} : memref<4104x16xf32, #tpu.memory_space<vmem>>[vector<16xi32>, vector<16xi32>], vector<16xf32>,
        %mul3A_208 = arith.mulf %get3A_168, %gather3A_158 : vector<16xf32>
        tpu.vector_store_idx %arg11[%and3A_162, %iota3A], %mul3A_208 {add = true} : memref<4104x16xf32, #tpu.memory_space<vmem>>[vector<16xi32>, vector<16xi32>], vector<16xf32>,
        %mul3A_209 = arith.mulf %get3A_185, %gather3A_175 : vector<16xf32>
        tpu.vector_store_idx %arg11[%and3A_179, %iota3A], %mul3A_209 {add = true} : memref<4104x16xf32, #tpu.memory_space<vmem>>[vector<16xi32>, vector<16xi32>], vector<16xf32>,
        %mul3A_210 = arith.mulf %get3A_202, %gather3A_192 : vector<16xf32>
        tpu.vector_store_idx %arg11[%and3A_196, %iota3A], %mul3A_210 {add = true} : memref<4104x16xf32, #tpu.memory_space<vmem>>[vector<16xi32>, vector<16xi32>], vector<16xf32>,
        %neg3A = arith.constant 0.000000e+00 : f32
        %neg3A_211 = vector.broadcast %neg3A : f32 to vector<16xf32>
        %neg3A_212 = arith.subf %neg3A_211, %gather3A : vector<16xf32>
        %mul3A_213 = arith.mulf %get3A_83, %neg3A_212 : vector<16xf32>
        tpu.vector_store_idx %arg11[%shift_right_arithmetic3A_81, %iota3A], %mul3A_213 {add = true} : memref<4104x16xf32, #tpu.memory_space<vmem>>[vector<16xi32>, vector<16xi32>], vector<16xf32>,
        %neg3A_214 = arith.constant 0.000000e+00 : f32
        %neg3A_215 = vector.broadcast %neg3A_214 : f32 to vector<16xf32>
        %neg3A_216 = arith.subf %neg3A_215, %gather3A_90 : vector<16xf32>
        %mul3A_217 = arith.mulf %get3A_100, %neg3A_216 : vector<16xf32>
        tpu.vector_store_idx %arg11[%shift_right_arithmetic3A_97, %iota3A], %mul3A_217 {add = true} : memref<4104x16xf32, #tpu.memory_space<vmem>>[vector<16xi32>, vector<16xi32>], vector<16xf32>,
        %neg3A_218 = arith.constant 0.000000e+00 : f32
        %neg3A_219 = vector.broadcast %neg3A_218 : f32 to vector<16xf32>
        %neg3A_220 = arith.subf %neg3A_219, %gather3A_107 : vector<16xf32>
        %mul3A_221 = arith.mulf %get3A_117, %neg3A_220 : vector<16xf32>
        tpu.vector_store_idx %arg11[%shift_right_arithmetic3A_114, %iota3A], %mul3A_221 {add = true} : memref<4104x16xf32, #tpu.memory_space<vmem>>[vector<16xi32>, vector<16xi32>], vector<16xf32>,
        %neg3A_222 = arith.constant 0.000000e+00 : f32
        %neg3A_223 = vector.broadcast %neg3A_222 : f32 to vector<16xf32>
        %neg3A_224 = arith.subf %neg3A_223, %gather3A_124 : vector<16xf32>
        %mul3A_225 = arith.mulf %get3A_134, %neg3A_224 : vector<16xf32>
        tpu.vector_store_idx %arg11[%shift_right_arithmetic3A_131, %iota3A], %mul3A_225 {add = true} : memref<4104x16xf32, #tpu.memory_space<vmem>>[vector<16xi32>, vector<16xi32>], vector<16xf32>,
        %neg3A_226 = arith.constant 0.000000e+00 : f32
        %neg3A_227 = vector.broadcast %neg3A_226 : f32 to vector<16xf32>
        %neg3A_228 = arith.subf %neg3A_227, %gather3A_141 : vector<16xf32>
        %mul3A_229 = arith.mulf %get3A_151, %neg3A_228 : vector<16xf32>
        tpu.vector_store_idx %arg11[%shift_right_arithmetic3A_148, %iota3A], %mul3A_229 {add = true} : memref<4104x16xf32, #tpu.memory_space<vmem>>[vector<16xi32>, vector<16xi32>], vector<16xf32>,
        %neg3A_230 = arith.constant 0.000000e+00 : f32
        %neg3A_231 = vector.broadcast %neg3A_230 : f32 to vector<16xf32>
        %neg3A_232 = arith.subf %neg3A_231, %gather3A_158 : vector<16xf32>
        %mul3A_233 = arith.mulf %get3A_168, %neg3A_232 : vector<16xf32>
        tpu.vector_store_idx %arg11[%shift_right_arithmetic3A_165, %iota3A], %mul3A_233 {add = true} : memref<4104x16xf32, #tpu.memory_space<vmem>>[vector<16xi32>, vector<16xi32>], vector<16xf32>,
        %neg3A_234 = arith.constant 0.000000e+00 : f32
        %neg3A_235 = vector.broadcast %neg3A_234 : f32 to vector<16xf32>
        %neg3A_236 = arith.subf %neg3A_235, %gather3A_175 : vector<16xf32>
        %mul3A_237 = arith.mulf %get3A_185, %neg3A_236 : vector<16xf32>
        tpu.vector_store_idx %arg11[%shift_right_arithmetic3A_182, %iota3A], %mul3A_237 {add = true} : memref<4104x16xf32, #tpu.memory_space<vmem>>[vector<16xi32>, vector<16xi32>], vector<16xf32>,
        %neg3A_238 = arith.constant 0.000000e+00 : f32
        %neg3A_239 = vector.broadcast %neg3A_238 : f32 to vector<16xf32>
        %neg3A_240 = arith.subf %neg3A_239, %gather3A_192 : vector<16xf32>
        %mul3A_241 = arith.mulf %get3A_202, %neg3A_240 : vector<16xf32>
        tpu.vector_store_idx %arg11[%shift_right_arithmetic3A_199, %iota3A], %mul3A_241 {add = true} : memref<4104x16xf32, #tpu.memory_space<vmem>>[vector<16xi32>, vector<16xi32>], vector<16xf32>,
        %scan3A_242 = arith.constant 0 : i32
        scf.yield %scan3A_242 : i32
      }
      %scan3A_66 = arith.constant 128 : i32
      %scan3A_67 = arith.constant 0 : i32
      scf.yield %scan3A_67 : i32
    }
    %scan3A_27 = arith.constant 8 : i32
    %broadcast_in_dim3A_28 = arith.constant 0.000000e+00 : f32
    %broadcast_in_dim3A_29 = vector.broadcast %broadcast_in_dim3A_28 : f32 to vector<16xf32>
    %scan3A_30 = arith.constant 0 : i32
    %scan3A_31 = arith.constant 512 : i32
    %scan3A_32 = arith.addi %scan3A_30, %scan3A_31 : i32
    %scan3A_33 = arith.constant 1 : i32
    %scan3A_34 = scf.for %scan3A_38 = %scan3A_30 to %scan3A_32 step %scan3A_33 iter_args(%scan3A_39 = %broadcast_in_dim3A_29) -> (vector<16xf32>)  : i32 {
      %mul3A_40 = arith.constant 8 : i32
      %mul3A_41 = arith.muli %scan3A_38, %mul3A_40 : i32
      %add3A_42 = arith.constant 0 : i32
      %add3A_43 = arith.addi %mul3A_41, %add3A_42 : i32
      %get3A = arith.index_cast %add3A_43 : i32 to index
      %get3A_44 = arith.constant 0 : index
      %get3A_45 = tpu.vector_load %arg11[%get3A, %get3A_44] {strides = array<i32>} : memref<4104x16xf32, #tpu.memory_space<vmem>>, vector<16xf32>,
      %add3A_46 = arith.addf %scan3A_39, %get3A_45 : vector<16xf32>
      %mul3A_47 = arith.constant 8 : i32
      %mul3A_48 = arith.muli %scan3A_38, %mul3A_47 : i32
      %add3A_49 = arith.constant 0 : i32
      %add3A_50 = arith.addi %mul3A_48, %add3A_49 : i32
      %swap3A = arith.index_cast %add3A_50 : i32 to index
      %swap3A_51 = arith.constant 0 : index
      %swap3A_52 = tpu.vector_load %arg11[%swap3A, %swap3A_51] {strides = array<i32>} : memref<4104x16xf32, #tpu.memory_space<vmem>>, vector<16xf32>,
      tpu.vector_store %arg11[%swap3A, %swap3A_51], %add3A_46 {strides = array<i32>} : memref<4104x16xf32, #tpu.memory_space<vmem>>, vector<16xf32>,
      %mul3A_53 = arith.constant 8 : i32
      %mul3A_54 = arith.muli %scan3A_38, %mul3A_53 : i32
      %add3A_55 = arith.constant 1 : i32
      %add3A_56 = arith.addi %mul3A_54, %add3A_55 : i32
      %get3A_57 = arith.index_cast %add3A_56 : i32 to index
      %get3A_58 = arith.constant 0 : index
      %get3A_59 = tpu.vector_load %arg11[%get3A_57, %get3A_58] {strides = array<i32>} : memref<4104x16xf32, #tpu.memory_space<vmem>>, vector<16xf32>,
      %add3A_60 = arith.addf %add3A_46, %get3A_59 : vector<16xf32>
      %mul3A_61 = arith.constant 8 : i32
      %mul3A_62 = arith.muli %scan3A_38, %mul3A_61 : i32
      %add3A_63 = arith.constant 1 : i32
      %add3A_64 = arith.addi %mul3A_62, %add3A_63 : i32
      %swap3A_65 = arith.index_cast %add3A_64 : i32 to index
      %swap3A_66 = arith.constant 0 : index
      %swap3A_67 = tpu.vector_load %arg11[%swap3A_65, %swap3A_66] {strides = array<i32>} : memref<4104x16xf32, #tpu.memory_space<vmem>>, vector<16xf32>,
      tpu.vector_store %arg11[%swap3A_65, %swap3A_66], %add3A_60 {strides = array<i32>} : memref<4104x16xf32, #tpu.memory_space<vmem>>, vector<16xf32>,
      %mul3A_68 = arith.constant 8 : i32
      %mul3A_69 = arith.muli %scan3A_38, %mul3A_68 : i32
      %add3A_70 = arith.constant 2 : i32
      %add3A_71 = arith.addi %mul3A_69, %add3A_70 : i32
      %get3A_72 = arith.index_cast %add3A_71 : i32 to index
      %get3A_73 = arith.constant 0 : index
      %get3A_74 = tpu.vector_load %arg11[%get3A_72, %get3A_73] {strides = array<i32>} : memref<4104x16xf32, #tpu.memory_space<vmem>>, vector<16xf32>,
      %add3A_75 = arith.addf %add3A_60, %get3A_74 : vector<16xf32>
      %mul3A_76 = arith.constant 8 : i32
      %mul3A_77 = arith.muli %scan3A_38, %mul3A_76 : i32
      %add3A_78 = arith.constant 2 : i32
      %add3A_79 = arith.addi %mul3A_77, %add3A_78 : i32
      %swap3A_80 = arith.index_cast %add3A_79 : i32 to index
      %swap3A_81 = arith.constant 0 : index
      %swap3A_82 = tpu.vector_load %arg11[%swap3A_80, %swap3A_81] {strides = array<i32>} : memref<4104x16xf32, #tpu.memory_space<vmem>>, vector<16xf32>,
      tpu.vector_store %arg11[%swap3A_80, %swap3A_81], %add3A_75 {strides = array<i32>} : memref<4104x16xf32, #tpu.memory_space<vmem>>, vector<16xf32>,
      %mul3A_83 = arith.constant 8 : i32
      %mul3A_84 = arith.muli %scan3A_38, %mul3A_83 : i32
      %add3A_85 = arith.constant 3 : i32
      %add3A_86 = arith.addi %mul3A_84, %add3A_85 : i32
      %get3A_87 = arith.index_cast %add3A_86 : i32 to index
      %get3A_88 = arith.constant 0 : index
      %get3A_89 = tpu.vector_load %arg11[%get3A_87, %get3A_88] {strides = array<i32>} : memref<4104x16xf32, #tpu.memory_space<vmem>>, vector<16xf32>,
      %add3A_90 = arith.addf %add3A_75, %get3A_89 : vector<16xf32>
      %mul3A_91 = arith.constant 8 : i32
      %mul3A_92 = arith.muli %scan3A_38, %mul3A_91 : i32
      %add3A_93 = arith.constant 3 : i32
      %add3A_94 = arith.addi %mul3A_92, %add3A_93 : i32
      %swap3A_95 = arith.index_cast %add3A_94 : i32 to index
      %swap3A_96 = arith.constant 0 : index
      %swap3A_97 = tpu.vector_load %arg11[%swap3A_95, %swap3A_96] {strides = array<i32>} : memref<4104x16xf32, #tpu.memory_space<vmem>>, vector<16xf32>,
      tpu.vector_store %arg11[%swap3A_95, %swap3A_96], %add3A_90 {strides = array<i32>} : memref<4104x16xf32, #tpu.memory_space<vmem>>, vector<16xf32>,
      %mul3A_98 = arith.constant 8 : i32
      %mul3A_99 = arith.muli %scan3A_38, %mul3A_98 : i32
      %add3A_100 = arith.constant 4 : i32
      %add3A_101 = arith.addi %mul3A_99, %add3A_100 : i32
      %get3A_102 = arith.index_cast %add3A_101 : i32 to index
      %get3A_103 = arith.constant 0 : index
      %get3A_104 = tpu.vector_load %arg11[%get3A_102, %get3A_103] {strides = array<i32>} : memref<4104x16xf32, #tpu.memory_space<vmem>>, vector<16xf32>,
      %add3A_105 = arith.addf %add3A_90, %get3A_104 : vector<16xf32>
      %mul3A_106 = arith.constant 8 : i32
      %mul3A_107 = arith.muli %scan3A_38, %mul3A_106 : i32
      %add3A_108 = arith.constant 4 : i32
      %add3A_109 = arith.addi %mul3A_107, %add3A_108 : i32
      %swap3A_110 = arith.index_cast %add3A_109 : i32 to index
      %swap3A_111 = arith.constant 0 : index
      %swap3A_112 = tpu.vector_load %arg11[%swap3A_110, %swap3A_111] {strides = array<i32>} : memref<4104x16xf32, #tpu.memory_space<vmem>>, vector<16xf32>,
      tpu.vector_store %arg11[%swap3A_110, %swap3A_111], %add3A_105 {strides = array<i32>} : memref<4104x16xf32, #tpu.memory_space<vmem>>, vector<16xf32>,
      %mul3A_113 = arith.constant 8 : i32
      %mul3A_114 = arith.muli %scan3A_38, %mul3A_113 : i32
      %add3A_115 = arith.constant 5 : i32
      %add3A_116 = arith.addi %mul3A_114, %add3A_115 : i32
      %get3A_117 = arith.index_cast %add3A_116 : i32 to index
      %get3A_118 = arith.constant 0 : index
      %get3A_119 = tpu.vector_load %arg11[%get3A_117, %get3A_118] {strides = array<i32>} : memref<4104x16xf32, #tpu.memory_space<vmem>>, vector<16xf32>,
      %add3A_120 = arith.addf %add3A_105, %get3A_119 : vector<16xf32>
      %mul3A_121 = arith.constant 8 : i32
      %mul3A_122 = arith.muli %scan3A_38, %mul3A_121 : i32
      %add3A_123 = arith.constant 5 : i32
      %add3A_124 = arith.addi %mul3A_122, %add3A_123 : i32
      %swap3A_125 = arith.index_cast %add3A_124 : i32 to index
      %swap3A_126 = arith.constant 0 : index
      %swap3A_127 = tpu.vector_load %arg11[%swap3A_125, %swap3A_126] {strides = array<i32>} : memref<4104x16xf32, #tpu.memory_space<vmem>>, vector<16xf32>,
      tpu.vector_store %arg11[%swap3A_125, %swap3A_126], %add3A_120 {strides = array<i32>} : memref<4104x16xf32, #tpu.memory_space<vmem>>, vector<16xf32>,
      %mul3A_128 = arith.constant 8 : i32
      %mul3A_129 = arith.muli %scan3A_38, %mul3A_128 : i32
      %add3A_130 = arith.constant 6 : i32
      %add3A_131 = arith.addi %mul3A_129, %add3A_130 : i32
      %get3A_132 = arith.index_cast %add3A_131 : i32 to index
      %get3A_133 = arith.constant 0 : index
      %get3A_134 = tpu.vector_load %arg11[%get3A_132, %get3A_133] {strides = array<i32>} : memref<4104x16xf32, #tpu.memory_space<vmem>>, vector<16xf32>,
      %add3A_135 = arith.addf %add3A_120, %get3A_134 : vector<16xf32>
      %mul3A_136 = arith.constant 8 : i32
      %mul3A_137 = arith.muli %scan3A_38, %mul3A_136 : i32
      %add3A_138 = arith.constant 6 : i32
      %add3A_139 = arith.addi %mul3A_137, %add3A_138 : i32
      %swap3A_140 = arith.index_cast %add3A_139 : i32 to index
      %swap3A_141 = arith.constant 0 : index
      %swap3A_142 = tpu.vector_load %arg11[%swap3A_140, %swap3A_141] {strides = array<i32>} : memref<4104x16xf32, #tpu.memory_space<vmem>>, vector<16xf32>,
      tpu.vector_store %arg11[%swap3A_140, %swap3A_141], %add3A_135 {strides = array<i32>} : memref<4104x16xf32, #tpu.memory_space<vmem>>, vector<16xf32>,
      %mul3A_143 = arith.constant 8 : i32
      %mul3A_144 = arith.muli %scan3A_38, %mul3A_143 : i32
      %add3A_145 = arith.constant 7 : i32
      %add3A_146 = arith.addi %mul3A_144, %add3A_145 : i32
      %get3A_147 = arith.index_cast %add3A_146 : i32 to index
      %get3A_148 = arith.constant 0 : index
      %get3A_149 = tpu.vector_load %arg11[%get3A_147, %get3A_148] {strides = array<i32>} : memref<4104x16xf32, #tpu.memory_space<vmem>>, vector<16xf32>,
      %add3A_150 = arith.addf %add3A_135, %get3A_149 : vector<16xf32>
      %mul3A_151 = arith.constant 8 : i32
      %mul3A_152 = arith.muli %scan3A_38, %mul3A_151 : i32
      %add3A_153 = arith.constant 7 : i32
      %add3A_154 = arith.addi %mul3A_152, %add3A_153 : i32
      %swap3A_155 = arith.index_cast %add3A_154 : i32 to index
      %swap3A_156 = arith.constant 0 : index
      %swap3A_157 = tpu.vector_load %arg11[%swap3A_155, %swap3A_156] {strides = array<i32>} : memref<4104x16xf32, #tpu.memory_space<vmem>>, vector<16xf32>,
      tpu.vector_store %arg11[%swap3A_155, %swap3A_156], %add3A_150 {strides = array<i32>} : memref<4104x16xf32, #tpu.memory_space<vmem>>, vector<16xf32>,
      scf.yield %add3A_150 : vector<16xf32>
    }
    %scan3A_35 = arith.constant 512 : i32
    %mul3A_36 = arith.constant 16 : i32
    %mul3A_37 = arith.muli %add3A, %mul3A_36 : i32
    "tpu.region"() ({
      %run_scoped3A = tpu.sem_alloc : memref<!tpu.dma_semaphore, #tpu.memory_space<semaphore_mem>>
      %dma_start3A_38 = arith.constant 0 : i32
      %dma_start3A_39 = arith.constant 0 : i32
      %dma_start3A_40 = tpu.memref_slice %arg11[%dma_start3A_38, %dma_start3A_39] : memref<4104x16xf32, #tpu.memory_space<vmem>> -> memref<4096x16xf32, #tpu.memory_space<vmem>>
      %dma_start3A_41 = arith.constant 0 : i32
      %dma_start3A_42 = tpu.memref_slice %arg6[%dma_start3A_41, %mul3A_37] : memref<4096x512xf32, #tpu.memory_space<hbm>> -> memref<4096x16xf32, #tpu.memory_space<hbm>>
      %dma_start3A_43 = arith.constant 0 : i32
      %dma_start3A_44 = tpu.memref_slice %arg6[%dma_start3A_43, %mul3A_37] : memref<4096x512xf32, #tpu.memory_space<hbm>> -> memref<4096x16xf32, #tpu.memory_space<hbm>>
      %dma_start3A_45 = arith.constant 0 : i32
      %dma_start3A_46 = arith.constant 0 : i32
      %dma_start3A_47 = tpu.memref_slice %arg11[%dma_start3A_45, %dma_start3A_46] : memref<4104x16xf32, #tpu.memory_space<vmem>> -> memref<4096x16xf32, #tpu.memory_space<vmem>>
      tpu.enqueue_dma source(%dma_start3A_47 : memref<4096x16xf32, #tpu.memory_space<vmem>>) target(%dma_start3A_44 : memref<4096x16xf32, #tpu.memory_space<hbm>>) target_semaphore(%run_scoped3A : memref<!tpu.dma_semaphore, #tpu.memory_space<semaphore_mem>>)
      %dma_wait3A = arith.constant 0 : i32
      %dma_wait3A_48 = arith.constant 0 : i32
      %dma_wait3A_49 = tpu.memref_slice %arg11[%dma_wait3A, %dma_wait3A_48] : memref<4104x16xf32, #tpu.memory_space<vmem>> -> memref<4096x16xf32, #tpu.memory_space<vmem>>
      %dma_wait3A_50 = arith.constant 0 : i32
      %dma_wait3A_51 = tpu.memref_slice %arg6[%dma_wait3A_50, %mul3A_37] : memref<4096x512xf32, #tpu.memory_space<hbm>> -> memref<4096x16xf32, #tpu.memory_space<hbm>>
      %dma_wait3A_52 = arith.constant 0 : i32
      %dma_wait3A_53 = tpu.memref_slice %arg6[%dma_wait3A_52, %mul3A_37] : memref<4096x512xf32, #tpu.memory_space<hbm>> -> memref<4096x16xf32, #tpu.memory_space<hbm>>
      %dma_wait3A_54 = arith.constant 0 : i32
      %dma_wait3A_55 = arith.constant 0 : i32
      %dma_wait3A_56 = tpu.memref_slice %arg11[%dma_wait3A_54, %dma_wait3A_55] : memref<4104x16xf32, #tpu.memory_space<vmem>> -> memref<4096x16xf32, #tpu.memory_space<vmem>>
      tpu.wait_dma2 semaphore(%run_scoped3A : memref<!tpu.dma_semaphore, #tpu.memory_space<semaphore_mem>>) src(%dma_wait3A_56 : memref<4096x16xf32, #tpu.memory_space<vmem>>) dst(%dma_wait3A_53 : memref<4096x16xf32, #tpu.memory_space<hbm>>)
      tpu.yield
    }) : () -> ()
    return
  }
}

module attributes {stable_mosaic.version = 14 : i64} {
  func.func @_counts_body(%arg0: i32, %arg1: memref<2048x1xf32, #tpu.memory_space<vmem>>, %arg2: memref<8x512xf32, #tpu.memory_space<vmem>>, %arg3: memref<2048x1xi32, #tpu.memory_space<vmem>>) attributes {dimension_semantics = [#tpu.dimension_semantics<arbitrary>], iteration_bounds = array<i64: 8>, scalar_prefetch = 0 : i64, scratch_operands = 0 : i64, tpu.core_type = #tpu.core_type<tc>, window_params = [{transform_indices = @transform_0, window_bounds = array<i64: 2048, 1>}, {pipeline_mode = #tpu.pipeline_mode<synchronous>, transform_indices = @transform_1, window_bounds = array<i64: 8, 512>}, {transform_indices = @transform_2, window_bounds = array<i64: 2048, 1>}]} {
    %get3A = arith.constant 0 : index
    %get3A_0 = arith.constant 0 : index
    %get3A_1 = vector.load %arg1[%get3A, %get3A_0] : memref<2048x1xf32, #tpu.memory_space<vmem>>, vector<2048x1xf32>
    %broadcast_in_dim3A = arith.constant 1.000000e+00 : bf16
    %broadcast_in_dim3A_2 = vector.broadcast %broadcast_in_dim3A : bf16 to vector<512x8xbf16>
    %get3A_3 = arith.constant 0 : index
    %get3A_4 = arith.constant 0 : index
    %get3A_5 = vector.load %arg2[%get3A_3, %get3A_4] : memref<8x512xf32, #tpu.memory_space<vmem>>, vector<1x512xf32>
    %lt3A = vector.broadcast %get3A_5 : vector<1x512xf32> to vector<2048x512xf32>
    %lt3A_6 = vector.broadcast %get3A_1 : vector<2048x1xf32> to vector<2048x512xf32>
    %lt3A_7 = arith.cmpf olt, %lt3A, %lt3A_6 : vector<2048x512xf32>
    %convert_element_type3A = arith.extui %lt3A_7 : vector<2048x512xi1> to vector<2048x512xi32>
    %convert_element_type3A_8 = arith.sitofp %convert_element_type3A : vector<2048x512xi32> to vector<2048x512xf32>
    %convert_element_type3A_9 = arith.truncf %convert_element_type3A_8 : vector<2048x512xf32> to vector<2048x512xbf16>
    %dot_general3A = arith.constant dense<0.000000e+00> : vector<2048x8xf32>
    %dot_general3A_10 = tpu.matmul %convert_element_type3A_9, %broadcast_in_dim3A_2, %dot_general3A {dimension_numbers = #tpu.dot_dimension_numbers<[1], [0], [0], [1], [0, 0, 1, 1], [], []>, transpose_lhs_hint = false} : vector<2048x512xbf16>, vector<512x8xbf16>, vector<2048x8xf32> -> vector<2048x8xf32>
    %get3A_11 = arith.constant 1 : index
    %get3A_12 = arith.constant 0 : index
    %get3A_13 = vector.load %arg2[%get3A_11, %get3A_12] : memref<8x512xf32, #tpu.memory_space<vmem>>, vector<1x512xf32>
    %lt3A_14 = vector.broadcast %get3A_13 : vector<1x512xf32> to vector<2048x512xf32>
    %lt3A_15 = vector.broadcast %get3A_1 : vector<2048x1xf32> to vector<2048x512xf32>
    %lt3A_16 = arith.cmpf olt, %lt3A_14, %lt3A_15 : vector<2048x512xf32>
    %convert_element_type3A_17 = arith.extui %lt3A_16 : vector<2048x512xi1> to vector<2048x512xi32>
    %convert_element_type3A_18 = arith.sitofp %convert_element_type3A_17 : vector<2048x512xi32> to vector<2048x512xf32>
    %convert_element_type3A_19 = arith.truncf %convert_element_type3A_18 : vector<2048x512xf32> to vector<2048x512xbf16>
    %dot_general3A_20 = arith.constant dense<0.000000e+00> : vector<2048x8xf32>
    %dot_general3A_21 = tpu.matmul %convert_element_type3A_19, %broadcast_in_dim3A_2, %dot_general3A_20 {dimension_numbers = #tpu.dot_dimension_numbers<[1], [0], [0], [1], [0, 0, 1, 1], [], []>, transpose_lhs_hint = false} : vector<2048x512xbf16>, vector<512x8xbf16>, vector<2048x8xf32> -> vector<2048x8xf32>
    %get3A_22 = arith.constant 2 : index
    %get3A_23 = arith.constant 0 : index
    %get3A_24 = vector.load %arg2[%get3A_22, %get3A_23] : memref<8x512xf32, #tpu.memory_space<vmem>>, vector<1x512xf32>
    %lt3A_25 = vector.broadcast %get3A_24 : vector<1x512xf32> to vector<2048x512xf32>
    %lt3A_26 = vector.broadcast %get3A_1 : vector<2048x1xf32> to vector<2048x512xf32>
    %lt3A_27 = arith.cmpf olt, %lt3A_25, %lt3A_26 : vector<2048x512xf32>
    %convert_element_type3A_28 = arith.extui %lt3A_27 : vector<2048x512xi1> to vector<2048x512xi32>
    %convert_element_type3A_29 = arith.sitofp %convert_element_type3A_28 : vector<2048x512xi32> to vector<2048x512xf32>
    %convert_element_type3A_30 = arith.truncf %convert_element_type3A_29 : vector<2048x512xf32> to vector<2048x512xbf16>
    %dot_general3A_31 = arith.constant dense<0.000000e+00> : vector<2048x8xf32>
    %dot_general3A_32 = tpu.matmul %convert_element_type3A_30, %broadcast_in_dim3A_2, %dot_general3A_31 {dimension_numbers = #tpu.dot_dimension_numbers<[1], [0], [0], [1], [0, 0, 1, 1], [], []>, transpose_lhs_hint = false} : vector<2048x512xbf16>, vector<512x8xbf16>, vector<2048x8xf32> -> vector<2048x8xf32>
    %get3A_33 = arith.constant 3 : index
    %get3A_34 = arith.constant 0 : index
    %get3A_35 = vector.load %arg2[%get3A_33, %get3A_34] : memref<8x512xf32, #tpu.memory_space<vmem>>, vector<1x512xf32>
    %lt3A_36 = vector.broadcast %get3A_35 : vector<1x512xf32> to vector<2048x512xf32>
    %lt3A_37 = vector.broadcast %get3A_1 : vector<2048x1xf32> to vector<2048x512xf32>
    %lt3A_38 = arith.cmpf olt, %lt3A_36, %lt3A_37 : vector<2048x512xf32>
    %convert_element_type3A_39 = arith.extui %lt3A_38 : vector<2048x512xi1> to vector<2048x512xi32>
    %convert_element_type3A_40 = arith.sitofp %convert_element_type3A_39 : vector<2048x512xi32> to vector<2048x512xf32>
    %convert_element_type3A_41 = arith.truncf %convert_element_type3A_40 : vector<2048x512xf32> to vector<2048x512xbf16>
    %dot_general3A_42 = arith.constant dense<0.000000e+00> : vector<2048x8xf32>
    %dot_general3A_43 = tpu.matmul %convert_element_type3A_41, %broadcast_in_dim3A_2, %dot_general3A_42 {dimension_numbers = #tpu.dot_dimension_numbers<[1], [0], [0], [1], [0, 0, 1, 1], [], []>, transpose_lhs_hint = false} : vector<2048x512xbf16>, vector<512x8xbf16>, vector<2048x8xf32> -> vector<2048x8xf32>
    %get3A_44 = arith.constant 4 : index
    %get3A_45 = arith.constant 0 : index
    %get3A_46 = vector.load %arg2[%get3A_44, %get3A_45] : memref<8x512xf32, #tpu.memory_space<vmem>>, vector<1x512xf32>
    %lt3A_47 = vector.broadcast %get3A_46 : vector<1x512xf32> to vector<2048x512xf32>
    %lt3A_48 = vector.broadcast %get3A_1 : vector<2048x1xf32> to vector<2048x512xf32>
    %lt3A_49 = arith.cmpf olt, %lt3A_47, %lt3A_48 : vector<2048x512xf32>
    %convert_element_type3A_50 = arith.extui %lt3A_49 : vector<2048x512xi1> to vector<2048x512xi32>
    %convert_element_type3A_51 = arith.sitofp %convert_element_type3A_50 : vector<2048x512xi32> to vector<2048x512xf32>
    %convert_element_type3A_52 = arith.truncf %convert_element_type3A_51 : vector<2048x512xf32> to vector<2048x512xbf16>
    %dot_general3A_53 = arith.constant dense<0.000000e+00> : vector<2048x8xf32>
    %dot_general3A_54 = tpu.matmul %convert_element_type3A_52, %broadcast_in_dim3A_2, %dot_general3A_53 {dimension_numbers = #tpu.dot_dimension_numbers<[1], [0], [0], [1], [0, 0, 1, 1], [], []>, transpose_lhs_hint = false} : vector<2048x512xbf16>, vector<512x8xbf16>, vector<2048x8xf32> -> vector<2048x8xf32>
    %get3A_55 = arith.constant 5 : index
    %get3A_56 = arith.constant 0 : index
    %get3A_57 = vector.load %arg2[%get3A_55, %get3A_56] : memref<8x512xf32, #tpu.memory_space<vmem>>, vector<1x512xf32>
    %lt3A_58 = vector.broadcast %get3A_57 : vector<1x512xf32> to vector<2048x512xf32>
    %lt3A_59 = vector.broadcast %get3A_1 : vector<2048x1xf32> to vector<2048x512xf32>
    %lt3A_60 = arith.cmpf olt, %lt3A_58, %lt3A_59 : vector<2048x512xf32>
    %convert_element_type3A_61 = arith.extui %lt3A_60 : vector<2048x512xi1> to vector<2048x512xi32>
    %convert_element_type3A_62 = arith.sitofp %convert_element_type3A_61 : vector<2048x512xi32> to vector<2048x512xf32>
    %convert_element_type3A_63 = arith.truncf %convert_element_type3A_62 : vector<2048x512xf32> to vector<2048x512xbf16>
    %dot_general3A_64 = arith.constant dense<0.000000e+00> : vector<2048x8xf32>
    %dot_general3A_65 = tpu.matmul %convert_element_type3A_63, %broadcast_in_dim3A_2, %dot_general3A_64 {dimension_numbers = #tpu.dot_dimension_numbers<[1], [0], [0], [1], [0, 0, 1, 1], [], []>, transpose_lhs_hint = false} : vector<2048x512xbf16>, vector<512x8xbf16>, vector<2048x8xf32> -> vector<2048x8xf32>
    %get3A_66 = arith.constant 6 : index
    %get3A_67 = arith.constant 0 : index
    %get3A_68 = vector.load %arg2[%get3A_66, %get3A_67] : memref<8x512xf32, #tpu.memory_space<vmem>>, vector<1x512xf32>
    %lt3A_69 = vector.broadcast %get3A_68 : vector<1x512xf32> to vector<2048x512xf32>
    %lt3A_70 = vector.broadcast %get3A_1 : vector<2048x1xf32> to vector<2048x512xf32>
    %lt3A_71 = arith.cmpf olt, %lt3A_69, %lt3A_70 : vector<2048x512xf32>
    %convert_element_type3A_72 = arith.extui %lt3A_71 : vector<2048x512xi1> to vector<2048x512xi32>
    %convert_element_type3A_73 = arith.sitofp %convert_element_type3A_72 : vector<2048x512xi32> to vector<2048x512xf32>
    %convert_element_type3A_74 = arith.truncf %convert_element_type3A_73 : vector<2048x512xf32> to vector<2048x512xbf16>
    %dot_general3A_75 = arith.constant dense<0.000000e+00> : vector<2048x8xf32>
    %dot_general3A_76 = tpu.matmul %convert_element_type3A_74, %broadcast_in_dim3A_2, %dot_general3A_75 {dimension_numbers = #tpu.dot_dimension_numbers<[1], [0], [0], [1], [0, 0, 1, 1], [], []>, transpose_lhs_hint = false} : vector<2048x512xbf16>, vector<512x8xbf16>, vector<2048x8xf32> -> vector<2048x8xf32>
    %get3A_77 = arith.constant 7 : index
    %get3A_78 = arith.constant 0 : index
    %get3A_79 = vector.load %arg2[%get3A_77, %get3A_78] : memref<8x512xf32, #tpu.memory_space<vmem>>, vector<1x512xf32>
    %lt3A_80 = vector.broadcast %get3A_79 : vector<1x512xf32> to vector<2048x512xf32>
    %lt3A_81 = vector.broadcast %get3A_1 : vector<2048x1xf32> to vector<2048x512xf32>
    %lt3A_82 = arith.cmpf olt, %lt3A_80, %lt3A_81 : vector<2048x512xf32>
    %convert_element_type3A_83 = arith.extui %lt3A_82 : vector<2048x512xi1> to vector<2048x512xi32>
    %convert_element_type3A_84 = arith.sitofp %convert_element_type3A_83 : vector<2048x512xi32> to vector<2048x512xf32>
    %convert_element_type3A_85 = arith.truncf %convert_element_type3A_84 : vector<2048x512xf32> to vector<2048x512xbf16>
    %dot_general3A_86 = arith.constant dense<0.000000e+00> : vector<2048x8xf32>
    %dot_general3A_87 = tpu.matmul %convert_element_type3A_85, %broadcast_in_dim3A_2, %dot_general3A_86 {dimension_numbers = #tpu.dot_dimension_numbers<[1], [0], [0], [1], [0, 0, 1, 1], [], []>, transpose_lhs_hint = false} : vector<2048x512xbf16>, vector<512x8xbf16>, vector<2048x8xf32> -> vector<2048x8xf32>
    %add3A = arith.addf %dot_general3A_10, %dot_general3A_21 : vector<2048x8xf32>
    %add3A_88 = arith.addf %add3A, %dot_general3A_32 : vector<2048x8xf32>
    %add3A_89 = arith.addf %add3A_88, %dot_general3A_43 : vector<2048x8xf32>
    %add3A_90 = arith.addf %add3A_89, %dot_general3A_54 : vector<2048x8xf32>
    %add3A_91 = arith.addf %add3A_90, %dot_general3A_65 : vector<2048x8xf32>
    %add3A_92 = arith.addf %add3A_91, %dot_general3A_76 : vector<2048x8xf32>
    %add3A_93 = arith.addf %add3A_92, %dot_general3A_87 : vector<2048x8xf32>
    %slice3A = vector.extract_strided_slice %add3A_93 {offsets = [0, 0], sizes = [2048, 1], strides = [1, 1]} : vector<2048x8xf32> to vector<2048x1xf32>
    %convert_element_type3A_94 = arith.fptosi %slice3A : vector<2048x1xf32> to vector<2048x1xi32>
    %swap3A = arith.constant 0 : index
    %swap3A_95 = arith.constant 0 : index
    %swap3A_96 = vector.load %arg3[%swap3A, %swap3A_95] : memref<2048x1xi32, #tpu.memory_space<vmem>>, vector<2048x1xi32>
    tpu.vector_store %arg3[%swap3A, %swap3A_95], %convert_element_type3A_94 {strides = array<i32>} : memref<2048x1xi32, #tpu.memory_space<vmem>>, vector<2048x1xi32>,
    return
  }
  func.func @transform_0(%arg0: i32) -> (i32, i32) {
    %c0_i32 = arith.constant 0 : i32
    %c0_i32_0 = arith.constant 0 : i32
    return %arg0, %c0_i32 : i32, i32
  }
  func.func @transform_1(%arg0: i32) -> (i32, i32) {
    %c0_i32 = arith.constant 0 : i32
    %c0_i32_0 = arith.constant 0 : i32
    %c0_i32_1 = arith.constant 0 : i32
    return %c0_i32, %c0_i32_0 : i32, i32
  }
  func.func @transform_2(%arg0: i32) -> (i32, i32) {
    %c0_i32 = arith.constant 0 : i32
    %c0_i32_0 = arith.constant 0 : i32
    return %arg0, %c0_i32 : i32, i32
  }
}

</mosaic_0001>

<sc_bundles>
// kernel: kernel.4.cloned.1.call-start
scs
__scs_entry_jumppad:
0x0: {  	(pc) =	sbr.rel $0x88, $3  }
0x1: {  	(tag) =	ssettag $0x0;
	lr =	simm.s32 $0x1  }
0x2: {  	[smem:$0x3F9B] =	sst lr;
	_ =	strace $0xD0000000  }
0x3: {  	_ = 	snop  }
0x4: {  	_ = 	snop  }
0x5: {  	_ = 	snop  }
0x6: {  	_ = 	snop  }
0x7: {  	_ = 	snop  }
__scs_overlays_trampoline_lowered:
0x8: {  	[smem:$0x3FAA] =	sst s0  }
0x9: {  	[smem:$0x3FAB] =	sst s1  }
0xa: {  	[smem:$0x3FAC] =	sst s2  }
0xb: {  	[smem:$0x3FAD] =	sst s3  }
0xc: {  	[smem:$0x3FAE] =	sst s4  }
0xd: {  	[smem:$0x3FAF] =	sst s5  }
0xe: {  	[smem:$0x3FB0] =	sst s6  }
0xf: {  	[smem:$0x3FB1] =	sst s7  }
0x10: {  	[smem:$0x3FB2] =	sst s8  }
0x11: {  	[smem:$0x3FB3] =	sst s9;
	s0 =	simm.s32 @!p0 $0x0  }
0x12: {  	s1 =	sld [smem:$0x3F99];
	s0 =	simm.s32 @p0 $0x1  }
0x13: {  	[smem:$0x3FB4] =	sst s0;
	s0 =	simm.s32 @!p1 $0x0  }
0x14: {  	s2 =	sld [smem:$0x3F98];
	s0 =	simm.s32 @p1 $0x1  }
0x15: {  	[smem:$0x3FB5] =	sst s0;
	s0 =	simm.s32 @!p2 $0x0  }
0x16: {  	s3 =	sld [smem:$0x3FDB];
	s0 =	simm.s32 @p2 $0x1  }
0x17: {  	s4 =	simm.s32 $0x1BF5;
	[smem:$0x3FB7] =	sst s0  }
0x18: {  	s0 =	sld [smem:$0x3F9A];
	_ =	swait.ge [sflag:s4], $0x0  }
0x19: {  	s7 =	sld [smem:$0x3F9B]  }
0x1a: {  	s8 =	sadd.s32 $0xFFFFE003, lr  }
0x1b: {  	s9 =	sadd.s32 $0xFFFFFEF7, lr;
	s5 =	simm.s32 $0xFFFFFFFF;
	p2 =	slt.u32 s8, $0xFFFFF086  }
0x1c: {  	p1 =	slt.u32 s9, $0xF7A;
	s5 =	simm.s32 @!p2 $0x0  }
0x1d: {  	s5 =	simm.s32 @p1 $0x1;
	p0 =	seq.s32 s7, s2  }
0x1e: {  	s7 =	smul.u32 @!p0 $0xF7A, s2;
	p2 =	seq.s32 @!p0 s5, $0x0  }
0x1f: {  	s9 =	smul.u32 $0xF7A, s1;
	s8 =	simm.s32 @!p0 $0x1BF5;
	p2 =	por !p2, p0  }
0x20: {  	[sflag:s8] =	ssyncset.s32 @!p0 $0xFFFFF086;
	s6 =	sadd.s32 @!p0 s3, s7;
	s7 =	simm.s32 @!p0 $0x108  }
0x21: {  	s3 =	sadd.s32 s3, s9;
	s6 =	sadd.s32 @!p0 $0x88, s6;
	s7 =	simm.s32 @p2 $0x1082  }
0x22: {  	[simem:s7], [sflag:s8] =	dma.local @!p0 [hbm:s6], $0xF7A  }
0x23: {  	s9 =	sor.u32 $0xD0000000, s2;
	s6 =	simm.s32 $0x108;
	_ =	swait.ge @!p0 [sflag:s8], $0x0  }
0x24: {  	s3 =	sadd.s32 $0x88, s3;
	s6 =	simm.s32 @!p1 $0x1082;
	[sflag:s4] =	ssyncset.s32 $0xFFFFF086  }
0x25: {  	[simem:s6], [sflag:s4] =	dma.local [hbm:s3], $0xF7A  }
0x26: {  	[smem:$0x3F9B] =	sst s1;
	(tag) =	ssettag s2;
	_ =	strace s9  }
0x27: {  	s1 =	sld [smem:$0x3FAB]  }
0x28: {  	s2 =	sld [smem:$0x3FAC]  }
0x29: {  	s4 =	sld [smem:$0x3FAE]  }
0x2a: {  	p0 =	seq.s32 s5, $0x0;
	s5 =	sld [smem:$0x3FAF]  }
0x2b: {  	s6 =	sld [smem:$0x3FB0]  }
0x2c: {  	s7 =	sld [smem:$0x3FB1]  }
0x2d: {  	s3 =	simm.s32 $0x108;
	s8 =	sld [smem:$0x3FB2]  }
0x2e: {  	s3 =	simm.s32 @!p0 $0x1082;
	s9 =	sld [smem:$0x3FB3]  }
0x2f: {  	lr =	sadd.s32 s0, s3;
	s0 =	sld [smem:$0x3FAA]  }
0x30: {  	s3 =	sld [smem:$0x3FAD]  }
0x31: {  	[smem:$0x3FB6] =	sst s10  }
0x32: {  	s10 =	sld [smem:$0x3FB4];
	_ =	sdelay $0x3  }
0x33: {  	p0 =	seq.s32 s10, $0x1;
	s10 =	sld [smem:$0x3FB6];
	_ =	sdelay $0x3  }
0x34: {  	[smem:$0x3FB6] =	sst s10  }
0x35: {  	s10 =	sld [smem:$0x3FB5];
	_ =	sdelay $0x3  }
0x36: {  	p1 =	seq.s32 s10, $0x1;
	s10 =	sld [smem:$0x3FB6];
	_ =	sdelay $0x3  }
0x37: {  	[smem:$0x3FB6] =	sst s10  }
0x38: {  	s10 =	sld [smem:$0x3FB7]  }
0x39: {  	_ = 	snop;
	(pc) =	sbr.ind lr, $3  }
0x3a: {  	_ = 	snop  }
0x3b: {  	_ = 	snop  }
0x3c: {  	p2 =	seq.s32 s10, $0x1;
	s10 =	sld [smem:$0x3FB6]  }
0x3d: {  	_ =	shalt  }
0x3e: {  	_ =	shalt  }
0x3f: {  	_ =	shalt  }
0x40: {  	_ =	shalt  }
0x41: {  	_ =	shalt  }
0x42: {  	_ =	shalt  }
0x43: {  	_ =	shalt  }
0x44: {  	_ =	shalt  }
0x45: {  	_ =	shalt  }
0x46: {  	_ =	shalt  }
0x47: {  	_ =	shalt  }
0x48: {  	_ =	shalt  }
0x49: {  	_ =	shalt  }
0x4a: {  	_ =	shalt  }
0x4b: {  	_ =	shalt  }
0x4c: {  	_ =	shalt  }
0x4d: {  	_ =	shalt  }
0x4e: {  	_ =	shalt  }
0x4f: {  	_ =	shalt  }
0x50: {  	_ =	shalt  }
0x51: {  	_ =	shalt  }
0x52: {  	_ =	shalt  }
0x53: {  	_ =	shalt  }
0x54: {  	_ =	shalt  }
0x55: {  	_ =	shalt  }
0x56: {  	_ =	shalt  }
0x57: {  	_ =	shalt  }
0x58: {  	_ =	shalt  }
0x59: {  	_ =	shalt  }
0x5a: {  	_ =	shalt  }
0x5b: {  	_ =	shalt  }
0x5c: {  	_ =	shalt  }
0x5d: {  	_ =	shalt  }
0x5e: {  	_ =	shalt  }
0x5f: {  	_ =	shalt  }
0x60: {  	_ =	shalt  }
0x61: {  	_ =	shalt  }
0x62: {  	_ =	shalt  }
0x63: {  	_ =	shalt  }
0x64: {  	_ =	shalt  }
0x65: {  	_ =	shalt  }
0x66: {  	_ =	shalt  }
0x67: {  	_ =	shalt  }
0x68: {  	_ =	shalt  }
0x69: {  	_ =	shalt  }
0x6a: {  	_ =	shalt  }
0x6b: {  	_ =	shalt  }
0x6c: {  	_ =	shalt  }
0x6d: {  	_ =	shalt  }
0x6e: {  	_ =	shalt  }
0x6f: {  	_ =	shalt  }
0x70: {  	_ =	shalt  }
0x71: {  	_ =	shalt  }
0x72: {  	_ =	shalt  }
0x73: {  	_ =	shalt  }
0x74: {  	_ =	shalt  }
0x75: {  	_ =	shalt  }
0x76: {  	_ =	shalt  }
0x77: {  	_ =	shalt  }
0x78: {  	_ =	shalt  }
0x79: {  	_ =	shalt  }
0x7a: {  	_ =	shalt  }
0x7b: {  	_ =	shalt  }
0x7c: {  	_ =	shalt  }
0x7d: {  	_ =	shalt  }
0x7e: {  	_ =	shalt  }
0x7f: {  	_ =	shalt  }
0x80: {  	_ =	shalt  }
0x81: {  	_ =	shalt  }
0x82: {  	_ =	shalt  }
0x83: {  	_ =	shalt  }
0x84: {  	_ =	shalt  }
0x85: {  	_ =	shalt  }
0x86: {  	_ =	shalt  }
0x87: {  	_ =	shalt  }
.Lfunc_end0:
.L_simem_size_0:
called_computation_lowered:
.L_overlay_start_0:
0x88: {  	s2 =	sld [smem:$0x3FD9]  }
0x89: {  	s3 =	sld [smem:$0x3FFE];
	_ =	sdelay $0x1  }
0x8a: {  	s1 =	srdreg.scid  }
0x8b: {  	s0 =	sand.u32 $0x1, s1  }
0x8c: {  	s17 =	sshll.u32 s0, $0xA;
	s2 =	sadd.s32 s3, s2  }
0x8d: {  	s2 =	sadd.s32 s2, s17  }
0x8e: {  	[smem:$0x3FC2] =	sst s2  }
0x8f: {  	_ = 	snop  }
0x90: {  	s2 =	sld [smem:$0x3FC9]  }
0x91: {  	s18 =	sld [smem:$0x3FD0];
	(tm) =	ssettm $0x1  }
0x92: {  	s4 =	sld [smem:$0x3FFB];
	_ =	sdelay $0x3  }
0x93: {  	_ =	strace s4  }
0x94: {  	s4 =	sld [smem:$0x3FFC];
	_ =	sdelay $0x3  }
0x95: {  	_ =	strace s4  }
0x96: {  	s4 =	sld [smem:$0x3FFD];
	_ =	sdelay $0x3  }
0x97: {  	_ =	strace s4  }
0x98: {  	_ =	strace $0x8FFFFFFF  }
0x99: {  	s19 =	sld [smem:$0x3FDB];
	_ =	sdelay $0x1  }
0x9a: {  	s5 =	simm.s32 $_scs_section_size  }
0x9b: {  	s6 =	simm.s32 $_size__tile_overlayer_lowered;
	s7 =	simm.s32 $_tile_overlayer_lowered  }
0x9c: {  	s22 =	simm.s32 $0x1BFF;
	s21 =	sshll.u32 s7, $0x1;
	s4 =	sadd.s32 s5, s19  }
0x9d: {  	s8 =	simm.s32 $0x0;
	s20 =	sshll.u32 s6, $0x1;
	s6 =	sadd.s32 s21, s4  }
0x9e: {  	[timem:s8], [sflag:s22] =	dma.local [hbm:s6], s20  }
0x9f: {  	_ =	swait.ge [sflag:s22], s20  }
0xa0: {  	s5 =	ssub.s32 $0x0, s20;
	[sflag:s22] =	ssyncset.done $0x0  }
0xa1: {  	[sflag:s22] =	ssyncadd.s32 s5;
	_ =	sdelay $0x1  }
0xa2: {  	s23 =	simm.s32 $0x1B8B  }
0xa3: {  	_ =	swait.ge [sflag:s23], $0x1  }
0xa4: {  	[sflag:s23] =	ssyncset.done $0x0  }
0xa5: {  	s25 =	simm.s32 $0x1B8E;
	s24 =	sld [smem:$0x3FFE];
	[sflag:s23] =	ssyncadd.s32 $0xFFFFFFFF  }
0xa6: {  	s26 =	simm.s32 $execute0_lowered;
	[smem:$0x3FD2] =	sst s25  }
0xa7: {  	s6 =	sshll.u32 s26, $0x1;
	_ =	strace $0x80000046;
	[dreg:$0x1] =	wrdreg $0xFFFFFFFF  }
0xa8: {  	s28 =	simm.s32 $_size_execute0_lowered;
	s4 =	sadd.s32 s4, s6;
	[dreg:$0x0] =	wrdreg $0x0  }
0xa9: {  	s6 =	sshll.u32 s28, $0x1;
	[dreg:$0x2] =	wrdreg s4  }
0xaa: {  	[dreg:$0x3] =	wrdreg s6  }
0xab: {  	[dreg:$0x4] =	wrdreg $0xC0  }
0xac: {  	_ =	task [dreg:s8], $0x5FFFF  }
0xad: {  	[dreg:$0x1] =	wrdreg $0xFFFFFFFF  }
0xae: {  	[dreg:$0x0] =	wrdreg $0x60  }
0xaf: {  	[dreg:$0x2] =	wrdreg s24  }
0xb0: {  	[dreg:$0x3] =	wrdreg s2  }
0xb1: {  	[dreg:$0x4] =	wrdreg s18  }
0xb2: {  	[dreg:$0x5] =	wrdreg $0x9  }
0xb3: {  	_ =	task.clear_ibuf [dreg:s8], $0x6FFFF;
	_ =	strace $0x90000046  }
0xb4: {  	s29 =	simm.s32 $0x9;
	_ =	strace $0x80000048  }
0xb5: {  	_ =	swait.ge [sflag:s29], $0x1  }
0xb6: {  	[sflag:s29] =	ssyncadd.s32 $0xFFFFFFFF  }
0xb7: {  	_ =	strace $0x90000048  }
0xb8: {  	_ =	sfence  }
0xb9: {  	s30 =	sld [smem:$0x0];
	_ =	sdelay $0x2  }
0xba: {  	s31 =	sshll.u32 s1, $0xD;
	s1 =	sshrl.u32 s1, $0x2  }
0xbb: {  	s3 =	sand.u32 $0x4000, s31;
	s1 =	sadd.s32 s1, s30  }
0xbc: {  	s0 =	sor.u32 s3, s0;
	s1 =	sshll.u32 s1, $0x11  }
0xbd: {  	s0 =	sor.u32 s1, s0  }
0xbe: {  	s0 =	sadd.s32 $0x8F2B, s0  }
0xbf: {  	[sflag:s0] =	ssyncadd.remote.s32 $0x1  }
0xc0: {  	_ =	sfence.sel $0xFFFF  }
0xc1: {  	[dreg:$0x0] =	wrdreg $0xFFFFFFFF;
	(pc) =	sbr.abs _section_cstart, $3  }
0xc2: {  	[dreg:$0x1] =	wrdreg $0xFFFFFFFF  }
0xc3: {  	_ =	task.clear_ibuf [dreg:s8], $0x2FFFF;
	_ =	strace $0x9FFFFFFF  }
0xc4: {  	(tm) =	ssettm $0x7FFFFFFF  }
0xc5: {  	_ =	shalt  }
tec
execute0_lowered:
.L_overlay_start_1:
0x0: {  	(tag) =	ssettag $0x1  }
0x1: {  	s1 =	rddreg [dreg:$0x0]  }
0x2: {  	s2 =	rddreg [dreg:$0x1]  }
0x3: {  	s3 =	rddreg [dreg:$0x2]  }
0x4: {  	s4 =	srdreg.scid;
	s0 =	rddreg [dreg:$0x3];
	s5 =	simm.s32 $0x0  }
0x5: {  	s10 =	simm.s32 $0x800;
	s11 =	simm.s32 $0x1000;
	s12 =	simm.s32 $0x400  }
0x6: {  	s14 =	simm.s32 $0x1;
	s15 =	simm.s32 $0x9800;
	s16 =	simm.s32 $0x10  }
0x7: {  	s17 =	simm.s32 $0x200;
	s18 =	simm.s32 $0x0;
	s6 =	sand.u32 $0x1, s4  }
0x8: {  	s4 =	stileid.u32;
	[smem:$0x7FF] =	sst s5;
	s7 =	sshll.u32 s6, $0x4  }
0x9: {  	s31 =	ssub.s32 $0x2, s6;
	_ =	strace $0x80000047;
	s13 =	sor.u32 s4, s7  }
0xa: {  	s6 =	sadd.s32 $0x400, s1;
	s9 =	sshrl.u32 s31, $0x1;
	s8 =	sshll.u32 s13, $0x1  }
0xb: {  	v2 =	vimm.s32 $0x0;
	vm0 =	vcmask $0x300;
	s9 =	ssub.s32 s31, s9;
	v0 =	vmov s13;
	s13 =	simm.s32 $0x1800;
	s8 =	sadd.s32 s8, s1  }
0xc: {  	v1 =	vimm.f32 $0.0e+00;
	v3 =	vlaneseq.u32;
	v2 =	vsel vm0, $0x3, v2;
	s7 =	sadd.s32 $0x800, s8;
	s8 =	smax.u32 s9, $0x1;
	s9 =	simm.s32 $0x2  }
.LBB2_1:
0xd: {  	s19 =	simm.s32 $0x0;
	s20 =	simm.s32 $0x200  }
.LBB2_2:
0xe: {  	p0 =	sne.s32 s20, $0x40000;
	[tilespmem:s19+$0x9870] =	vst v1  }
0xf: {  	[tilespmem:s19+$0x9800] =	vst v1  }
0x10: {  	[tilespmem:s19+$0x9810] =	vst v1  }
.Ltmp0:
0x11: {  	[tilespmem:s19+$0x9820] =	vst v1;
	(pc) =	sbr.rel @p0 .LBB2_2-.Ltmp0, $4  }
0x12: {  	[tilespmem:s19+$0x9830] =	vst v1  }
0x13: {  	[tilespmem:s19+$0x9840] =	vst v1  }
0x14: {  	[tilespmem:s19+$0x9850] =	vst v1  }
0x15: {  	[tilespmem:s19+$0x9860] =	vst v1;
	s19 =	sshra.s32 s20, $0x2;
	s20 =	sadd.s32 $0x200, s20  }
0x16: {  	[tilespmem:s19+$0x9870] =	vst v1  }
0x17: {  	[tilespmem:s19+$0x9800] =	vst v1  }
0x18: {  	[tilespmem:s19+$0x9810] =	vst v1  }
0x19: {  	[tilespmem:s19+$0x9820] =	vst v1  }
0x1a: {  	[tilespmem:s19+$0x9830] =	vst v1  }
0x1b: {  	[tilespmem:s19+$0x9840] =	vst v1  }
0x1c: {  	[tilespmem:s19+$0x9850] =	vst v1  }
0x1d: {  	[tilespmem:s19+$0x9860] =	vst v1;
	s31 =	simm.s32 $0x0  }
0x1e: {  	[tilespmem:s31], [sflag:$0x2] =	stream.linear.gather [hbm4b:s6+s31], $0x400, $0x38;
	[tilespmem:$0x19880] =	vst v63  }
0x1f: {  	_ =	swait.ge [sflag:s9], $0x400  }
0x20: {  	[sflag:s9] =	ssyncset.done $0x0  }
0x21: {  	[sflag:s9] =	ssyncadd.s32 $0xFFFFFC00  }
0x22: {  	[tilespmem:s10], [sflag:$0x2] =	stream.linear.gather [hbm4b:s1+s31], $0x400, $0x38;
	[tilespmem:$0x19880] =	vst v63  }
0x23: {  	_ =	swait.ge [sflag:s9], $0x400  }
0x24: {  	[sflag:s9] =	ssyncset.done $0x0  }
0x25: {  	[sflag:s9] =	ssyncadd.s32 $0xFFFFFC00  }
0x26: {  	[tilespmem:s11], [sflag:$0x2] =	stream.linear.gather [hbm4b:s2+s31], $0x400, $0x38;
	[tilespmem:$0x19880] =	vst v63  }
0x27: {  	_ =	swait.ge [sflag:s9], $0x400  }
0x28: {  	[sflag:s9] =	ssyncset.done $0x0  }
0x29: {  	s19 =	simm.s32 $0x0;
	s20 =	simm.s32 $0x40;
	[sflag:s9] =	ssyncadd.s32 $0xFFFFFC00  }
.LBB2_4:
0x2a: {  	p0 =	sne.s32 s20, $0xFC0;
	v4 =	vld [tilespmem:s19+$0x800];
	_ =	sdelay $0x1  }
.Ltmp1:
0x2b: {  	(pc) =	sbr.rel @p0 .LBB2_4-.Ltmp1, $3  }
0x2c: {  	_ =	sdelay $0x1  }
0x2d: {  	v4 =	vadd.s32 v0, v4  }
0x2e: {  	[tilespmem:s19+$0x800] =	vst v4;
	s19 =	sshra.s32 s20, $0x2;
	s20 =	sadd.s32 $0x40, s20  }
0x2f: {  	v4 =	vld [tilespmem:s19+$0x800];
	_ =	sdelay $0x4  }
0x30: {  	v4 =	vadd.s32 v0, v4  }
0x31: {  	p0 =	por $0x0, $0x0;
	[tilespmem:s19+$0x800] =	vst v4;
	s19 =	simm.s32 $0x0  }
0x32: {  	[tilespmem:s13], [sflag:$0x1] =	stream.indirect.gather [hbm4b:s3+s12], $0x10, s10, s12, $0xb8;
	[tilespmem:$0x19880] =	vst v63  }
.LBB2_6:
0x33: {  	p1 =	seq.s32 s19, $0x7  }
.Ltmp2:
0x34: {  	_ = 	snop;
	(pc) =	sbr.rel @p1 .LBB2_10-.Ltmp2, $4  }
0x35: {  	_ = 	snop  }
0x36: {  	_ =	swait.ge [sflag:s14], $0x4000  }
0x37: {  	s21 =	simm.s32 $0x1;
	[sflag:s14] =	ssyncset.done $0x0  }
0x38: {  	s21 =	simm.s32 @!p0 $0x0;
	[sflag:s14] =	ssyncadd.s32 $0xFFFFC000  }
0x39: {  	s20 =	sxor.u32 $0xFFFFFFFF, s19;
	s22 =	sshll.u32 s19, $0x7  }
0x3a: {  	s20 =	sshll.u32 s20, $0xA;
	s23 =	sadd.s32 $0x80, s22  }
0x3b: {  	s24 =	simm.s32 $0x0;
	s20 =	sand.u32 $0x400, s20;
	s22 =	sadd.s32 s6, s23  }
0x3c: {  	[tilespmem:s20], [sflag:$0x2] =	stream.linear.gather [hbm4b:s22+s24], $0x400, $0x38;
	[tilespmem:$0x19880] =	vst v63  }
0x3d: {  	_ =	swait.ge [sflag:s9], $0x400  }
0x3e: {  	[sflag:s9] =	ssyncset.done $0x0  }
0x3f: {  	s25 =	sadd.s32 s1, s23;
	s22 =	sor.u32 $0x800, s20;
	[sflag:s9] =	ssyncadd.s32 $0xFFFFFC00  }
0x40: {  	[tilespmem:s22], [sflag:$0x2] =	stream.linear.gather [hbm4b:s25+s24], $0x400, $0x38;
	[tilespmem:$0x19880] =	vst v63  }
0x41: {  	s30 =	sshll.u32 s21, $0xC;
	_ =	swait.ge [sflag:s9], $0x400  }
0x42: {  	s23 =	sadd.s32 s2, s23;
	s25 =	ssub.s32 $0x0, s30;
	[sflag:s9] =	ssyncset.done $0x0  }
0x43: {  	s26 =	sor.u32 $0x1000, s20;
	s31 =	sshra.s32 s25, $0x2;
	[sflag:s9] =	ssyncadd.s32 $0xFFFFFC00  }
0x44: {  	[tilespmem:s26], [sflag:$0x2] =	stream.linear.gather [hbm4b:s23+s24], $0x400, $0x38;
	[tilespmem:$0x19880] =	vst v63  }
0x45: {  	s23 =	sadd.s32 $0xC00, s31  }
0x46: {  	v4 =	vmov s23;
	_ =	sdelay $0x1  }
0x47: {  	_ =	swait.ge [sflag:s9], $0x400  }
0x48: {  	[sflag:s9] =	ssyncset.done $0x0  }
0x49: {  	s24 =	simm.s32 $0x40;
	s23 =	simm.s32 $0x0;
	[sflag:s9] =	ssyncadd.s32 $0xFFFFFC00  }
.LBB2_8:
0x4a: {  	p1 =	sne.s32 s24, $0xFC0;
	v5 =	vld.idx.msk [tilespmem:v4+s23+$0x0 ss:$0x1], $0xffff;
	_ =	sdelay $0x2  }
.Ltmp3:
0x4b: {  	(pc) =	sbr.rel @p1 .LBB2_8-.Ltmp3, $3  }
0x4c: {  	_ =	sdelay $0x1  }
0x4d: {  	v5 =	vadd.s32 v0, v5  }
0x4e: {  	[tilespmem:v4+s23+$0x0 ss:$0x1] =	vst.idx.msk $0xffff, v5;
	s23 =	sshra.s32 s24, $0x2;
	s24 =	sadd.s32 $0x40, s24  }
0x4f: {  	_ =	sdelay $0x3  }
0x50: {  	v5 =	vld.idx.msk [tilespmem:v4+s23+$0x0 ss:$0x1], $0xffff;
	_ =	sdelay $0x4  }
0x51: {  	s20 =	sshll.u32 s20, $0x4;
	v5 =	vadd.s32 v0, v5  }
0x52: {  	s20 =	sadd.s32 $0x1800, s20;
	[tilespmem:v4+s23+$0x0 ss:$0x1] =	vst.idx.msk $0xffff, v5  }
0x53: {  	[tilespmem:s20], [sflag:$0x1] =	stream.indirect.gather [hbm4b:s3+s12], $0x10, s22, s12, $0xb8;
	[tilespmem:$0x19880] =	vst v63  }
.LBB2_10:
0x54: {  	s20 =	sshll.u32 s21, $0xA  }
0x55: {  	s22 =	sadd.s32 $0x0, s20  }
0x56: {  	v4 =	vmov s22;
	s23 =	sadd.s32 $0x1, s22  }
0x57: {  	s24 =	sadd.s32 $0x2, s22;
	v4 =	vshrl.u32 v4, $0x3;
	v5 =	vmov s23  }
0x58: {  	v6 =	vmov s24;
	v4 =	vshll.u32 v4, v2;
	v5 =	vshrl.u32 v5, $0x3  }
0x59: {  	s28 =	sshll.u32 s21, $0xE;
	s29 =	sadd.s32 $0x5, s22;
	v6 =	vshrl.u32 v6, $0x3;
	v8 =	vbroadcast v4, $0x0;
	v4 =	vshll.u32 v5, v2  }
0x5a: {  	s21 =	sor.u32 $0x1840, s28;
	v7 =	vmov s29;
	v6 =	vshll.u32 v6, v2;
	v5 =	vadd.s32 $0x1, v4  }
0x5b: {  	s30 =	sadd.s32 $0x3, s22;
	v27 =	vld [tilespmem:s21+$0x0];
	v7 =	vshrl.u32 v7, $0x3;
	v6 =	vadd.s32 $0x2, v6;
	v11 =	vbroadcast v5, $0x0  }
0x5c: {  	s31 =	sadd.s32 $0x7, s22;
	s25 =	sadd.s32 $0x4, s22;
	v18 =	vld [tilespmem:s21+$0xFFFFFFF0];
	s22 =	sadd.s32 $0x6, s22;
	v7 =	vshll.u32 v7, v2;
	v13 =	vbroadcast v6, $0x0  }
0x5d: {  	v17 =	vld [tilespmem:s21+$0xFFFFFFE0];
	v15 =	vmov s22;
	v7 =	vadd.s32 $0x5, v7  }
0x5e: {  	v19 =	vld [tilespmem:s21+$0xFFFFFFC0];
	v10 =	vmov s30;
	v15 =	vshrl.u32 v15, $0x3;
	v21 =	vbroadcast v7, $0x0  }
0x5f: {  	v15 =	vshll.u32 v15, v2;
	v5 =	vshrl.u32 v10, $0x3;
	v6 =	vld.idx.msk [tilespmem:v8+s5+$0x0], $0xffff  }
0x60: {  	v10 =	vmov s25;
	v7 =	vadd.s32 $0x6, v15;
	v12 =	vshll.u32 v5, v2;
	v22 =	vld.idx.msk [tilespmem:v8+s11+$0x0], $0xffff  }
0x61: {  	v10 =	vshrl.u32 v10, $0x3;
	v15 =	vbroadcast v7, $0x0;
	v12 =	vadd.s32 $0x3, v12;
	v16 =	vld.idx.msk [tilespmem:v11+s5+$0x0], $0xffff  }
0x62: {  	v9 =	vmov s31;
	v10 =	vshll.u32 v10, v2;
	v12 =	vbroadcast v12, $0x0;
	v24 =	vld.idx.msk [tilespmem:v13+s5+$0x0], $0xffff  }
0x63: {  	v9 =	vshrl.u32 v9, $0x3;
	v10 =	vadd.s32 $0x4, v10;
	v25 =	vld.idx.msk [tilespmem:v11+s11+$0x0], $0xffff  }
0x64: {  	v9 =	vshll.u32 v9, v2;
	v10 =	vbroadcast v10, $0x0;
	v30 =	vld.idx.msk [tilespmem:v21+s5+$0x0], $0xffff  }
0x65: {  	v9 =	vadd.s32 $0x7, v9;
	v33 =	vld.idx.msk [tilespmem:v13+s11+$0x0], $0xffff  }
0x66: {  	v41 =	vld [tilespmem:s21+$0xFFFFFFD0];
	v20 =	vbroadcast v9, $0x0;
	v7 =	vshll.u32 v6, $0x4;
	v6 =	vshra.s32 v6, $0x9  }
0x67: {  	v31 =	vld.idx.msk [tilespmem:v15+s5+$0x0], $0xffff;
	v11 =	vsub.f32 $0.0e+00, v22;
	v38 =	vmul.f32 v19, v22;
	v7 =	vand.u32 $0x1FFF0, v7  }
0x68: {  	v8 =	vld.idx.msk [tilespmem:v12+s5+$0x0], $0xffff;
	v6 =	vand.u32 $0xFFFFFFF0, v6;
	v9 =	vshll.u32 v16, $0x4;
	v26 =	vor.u32 v3, v7  }
0x69: {  	v60 =	vld.idx.msk [tilespmem:v12+s11+$0x0], $0xffff;
	v6 =	vor.u32 v3, v6;
	v12 =	vshll.u32 v24, $0x4;
	v13 =	vshra.s32 v24, $0x9  }
0x6a: {  	v23 =	vld.idx.msk [tilespmem:v10+s5+$0x0], $0xffff;
	v35 =	vshll.u32 v30, $0x4;
	v39 =	vmul.f32 v17, v33;
	v61 =	vsub.f32 $0.0e+00, v25  }
0x6b: {  	v10 =	vld.idx.msk [tilespmem:v10+s11+$0x0], $0xffff;
	v25 =	vmul.f32 v41, v25;
	v33 =	vsub.f32 $0.0e+00, v33;
	v7 =	vand.u32 $0x1FFF0, v9  }
0x6c: {  	v37 =	vld.idx.msk [tilespmem:v15+s11+$0x0], $0xffff;
	v9 =	vshra.s32 v16, $0x9;
	v15 =	vshll.u32 v31, $0x4;
	v31 =	vshra.s32 v31, $0x9  }
0x6d: {  	v14 =	vld [tilespmem:s21+$0x10];
	v29 =	vor.u32 v3, v7;
	v16 =	vand.u32 $0xFFFFFFF0, v9;
	v15 =	vand.u32 $0x1FFF0, v15  }
0x6e: {  	v24 =	vld.idx.msk [tilespmem:v21+s11+$0x0], $0xffff;
	v7 =	vshll.u32 v8, $0x4;
	v8 =	vshra.s32 v8, $0x9;
	v42 =	vmul.f32 v18, v60  }
0x6f: {  	v15 =	vor.u32 v3, v15;
	v7 =	vand.u32 $0x1FFF0, v7;
	v32 =	vshll.u32 v23, $0x4  }
0x70: {  	v28 =	vld.idx.msk [tilespmem:v20+s5+$0x0], $0xffff;
	v9 =	vand.u32 $0xFFFFFFF0, v8;
	v21 =	vmul.f32 v27, v10;
	v10 =	vsub.f32 $0.0e+00, v10  }
0x71: {  	v62 =	vshra.s32 v23, $0x9;
	v23 =	vmul.f32 v41, v61;
	v34 =	vor.u32 v3, v7  }
0x72: {  	v8 =	vand.u32 $0x1FFF0, v32;
	v7 =	vmul.f32 v19, v11;
	v19 =	vand.u32 $0x1FFF0, v35  }
0x73: {  	v5 =	vld [tilespmem:s21+$0x20];
	v22 =	vsub.f32 $0.0e+00, v24;
	v24 =	vmul.f32 v14, v24;
	v63 =	vand.u32 $0xFFFFFFF0, v62  }
0x74: {  	v11 =	vor.u32 v3, v8;
	v8 =	vor.u32 v3, v16;
	v16 =	vand.u32 $0x1FFF0, v12  }
0x75: {  	v4 =	vld [tilespmem:s21+$0x30];
	v12 =	vshll.u32 v28, $0x4;
	v19 =	vor.u32 v3, v19;
	v40 =	vor.u32 v3, v16  }
0x76: {  	v10 =	vmul.f32 v27, v10;
	v27 =	vor.u32 v3, v63;
	v36 =	vand.u32 $0x1FFF0, v12;
	v12 =	vld.idx.msk [tilespmem:v20+s11+$0x0], $0xffff  }
0x77: {  	v20 =	vshra.s32 v30, $0x9;
	v14 =	vmul.f32 v14, v22;
	[tilespmem:v26+s15+$0x0] =	vst.idx.add.f32.msk $0xffff, v38;
	v26 =	vsub.f32 $0.0e+00, v60  }
0x78: {  	v16 =	vor.u32 v3, v36;
	v30 =	vand.u32 $0xFFFFFFF0, v20;
	v20 =	vmul.f32 v5, v37  }
0x79: {  	[tilespmem:v29+s15+$0x0] =	vst.idx.add.f32.msk $0xffff, v25;
	v25 =	vmul.f32 v17, v33;
	v29 =	vand.u32 $0xFFFFFFF0, v31;
	v17 =	vor.u32 v3, v30  }
0x7a: {  	v13 =	vand.u32 $0xFFFFFFF0, v13;
	v26 =	vmul.f32 v18, v26;
	v18 =	vor.u32 v3, v29;
	[tilespmem:v40+s15+$0x0] =	vst.idx.add.f32.msk $0xffff, v39  }
0x7b: {  	s22 =	simm.s32 $0x8;
	v29 =	vshra.s32 v28, $0x9;
	v28 =	vsub.f32 $0.0e+00, v37;
	v22 =	vmul.f32 v4, v12;
	[tilespmem:v34+s15+$0x0] =	vst.idx.add.f32.msk $0xffff, v42  }
.LBB2_11:
0x7c: {  	p1 =	sne.s32 s22, $0x3F8  }
0x7d: {  	[tilespmem:v11+s15+$0x0] =	vst.idx.add.f32.msk $0xffff, v21;
	v11 =	vor.u32 v3, v13;
	v9 =	vor.u32 v3, v9;
	v13 =	vand.u32 $0xFFFFFFF0, v29;
	s21 =	sadd.s32 $0x80, s21;
	s23 =	smov.u32 s22;
	s22 =	sadd.s32 $0x8, s22  }
0x7e: {  	v12 =	vsub.f32 $0.0e+00, v12;
	[tilespmem:v19+s15+$0x0] =	vst.idx.add.f32.msk $0xffff, v24;
	v5 =	vmul.f32 v5, v28;
	v13 =	vor.u32 v3, v13  }
0x7f: {  	[tilespmem:v15+s15+$0x0] =	vst.idx.add.f32.msk $0xffff, v20  }
0x80: {  	v4 =	vmul.f32 v4, v12;
	[tilespmem:v16+s15+$0x0] =	vst.idx.add.f32.msk $0xffff, v22  }
0x81: {  	[tilespmem:v6+s15+$0x0] =	vst.idx.add.f32.msk $0xffff, v7  }
0x82: {  	[tilespmem:v8+s15+$0x0] =	vst.idx.add.f32.msk $0xffff, v23  }
0x83: {  	[tilespmem:v11+s15+$0x0] =	vst.idx.add.f32.msk $0xffff, v25  }
0x84: {  	s23 =	sadd.s32 s23, s20;
	[tilespmem:v9+s15+$0x0] =	vst.idx.add.f32.msk $0xffff, v26  }
0x85: {  	s24 =	sadd.s32 $0x1, s23;
	s25 =	sadd.s32 $0x2, s23;
	s26 =	sadd.s32 $0x3, s23;
	v6 =	vmov s23;
	[tilespmem:v27+s15+$0x0] =	vst.idx.add.f32.msk $0xffff, v10  }
0x86: {  	s28 =	sadd.s32 $0x6, s23;
	v7 =	vmov s24;
	s24 =	sadd.s32 $0x4, s23;
	v6 =	vshrl.u32 v6, $0x3;
	v8 =	vmov s25;
	s25 =	sadd.s32 $0x5, s23;
	[tilespmem:v17+s15+$0x0] =	vst.idx.add.f32.msk $0xffff, v14  }
0x87: {  	v7 =	vshrl.u32 v7, $0x3;
	s23 =	sadd.s32 $0x7, s23;
	v6 =	vshll.u32 v6, v2;
	v9 =	vmov s25;
	[tilespmem:v18+s15+$0x0] =	vst.idx.add.f32.msk $0xffff, v5  }
0x88: {  	v6 =	vbroadcast v6, $0x0;
	v5 =	vshll.u32 v7, v2;
	v7 =	vmov s23;
	[tilespmem:v13+s15+$0x0] =	vst.idx.add.f32.msk $0xffff, v4  }
0x89: {  	v10 =	vmov s26;
	v9 =	vshrl.u32 v9, $0x3;
	v5 =	vadd.s32 $0x1, v5;
	v4 =	vld [tilespmem:s21+$0x30]  }
0x8a: {  	v11 =	vbroadcast v5, $0x0;
	v5 =	vshrl.u32 v10, $0x3;
	v10 =	vmov s24;
	v14 =	vld [tilespmem:s21+$0x10]  }
0x8b: {  	v8 =	vshrl.u32 v8, $0x3;
	v12 =	vshll.u32 v5, v2;
	v10 =	vshrl.u32 v10, $0x3;
	v5 =	vld [tilespmem:s21+$0x20]  }
0x8c: {  	v8 =	vshll.u32 v8, v2;
	v12 =	vadd.s32 $0x3, v12;
	v13 =	vshll.u32 v10, v2;
	v10 =	vld [tilespmem:s21+$0x0]  }
0x8d: {  	v8 =	vadd.s32 $0x2, v8;
	v12 =	vbroadcast v12, $0x0;
	v13 =	vadd.s32 $0x4, v13;
	v18 =	vld [tilespmem:s21+$0xFFFFFFF0]  }
0x8e: {  	v8 =	vbroadcast v8, $0x0;
	v7 =	vshrl.u32 v7, $0x3;
	v13 =	vbroadcast v13, $0x0;
	v17 =	vld [tilespmem:s21+$0xFFFFFFE0]  }
0x8f: {  	v16 =	vmov s28;
	v9 =	vshll.u32 v9, v2;
	v7 =	vshll.u32 v7, v2;
	v15 =	vld.idx.msk [tilespmem:v6+s5+$0x0], $0xffff  }
0x90: {  	v16 =	vshrl.u32 v16, $0x3;
	v9 =	vadd.s32 $0x5, v9;
	v7 =	vadd.s32 $0x7, v7;
	v19 =	vld.idx.msk [tilespmem:v11+s5+$0x0], $0xffff  }
0x91: {  	v21 =	vbroadcast v9, $0x0;
	v9 =	vshll.u32 v16, v2;
	v16 =	vbroadcast v7, $0x0;
	v20 =	vld [tilespmem:s21+$0xFFFFFFC0]  }
0x92: {  	v22 =	vld.idx.msk [tilespmem:v6+s11+$0x0], $0xffff;
	v6 =	vadd.s32 $0x6, v9  }
0x93: {  	v7 =	vld.idx.msk [tilespmem:v12+s5+$0x0], $0xffff;
	v23 =	vbroadcast v6, $0x0  }
0x94: {  	v25 =	vld.idx.msk [tilespmem:v13+s5+$0x0], $0xffff  }
0x95: {  	v6 =	vshll.u32 v15, $0x4;
	v9 =	vshra.s32 v15, $0x9;
	v24 =	vld.idx.msk [tilespmem:v8+s5+$0x0], $0xffff  }
0x96: {  	v6 =	vand.u32 $0x1FFF0, v6;
	v9 =	vand.u32 $0xFFFFFFF0, v9;
	v26 =	vld.idx.msk [tilespmem:v11+s11+$0x0], $0xffff;
	v11 =	vshll.u32 v19, $0x4  }
0x97: {  	v15 =	vor.u32 v3, v6;
	v27 =	vld.idx.msk [tilespmem:v16+s5+$0x0], $0xffff;
	v6 =	vand.u32 $0x1FFF0, v11;
	v11 =	vshra.s32 v19, $0x9  }
0x98: {  	v19 =	vld.idx.msk [tilespmem:v21+s5+$0x0], $0xffff;
	v28 =	vor.u32 v3, v6;
	v6 =	vor.u32 v3, v9;
	v29 =	vand.u32 $0xFFFFFFF0, v11  }
0x99: {  	v9 =	vshll.u32 v7, $0x4;
	v11 =	vsub.f32 $0.0e+00, v22;
	v7 =	vshra.s32 v7, $0x9;
	v30 =	vld.idx.msk [tilespmem:v23+s5+$0x0], $0xffff  }
0x9a: {  	v32 =	vshll.u32 v25, $0x4;
	v31 =	vld.idx.msk [tilespmem:v8+s11+$0x0], $0xffff;
	v8 =	vand.u32 $0x1FFF0, v9;
	v9 =	vand.u32 $0xFFFFFFF0, v7  }
0x9b: {  	v7 =	vmul.f32 v20, v11;
	v33 =	vld.idx.msk [tilespmem:v12+s11+$0x0], $0xffff;
	v34 =	vor.u32 v3, v8;
	v8 =	vand.u32 $0x1FFF0, v32  }
0x9c: {  	v12 =	vshll.u32 v24, $0x4;
	v32 =	vld.idx.msk [tilespmem:v13+s11+$0x0], $0xffff;
	v11 =	vor.u32 v3, v8;
	v8 =	vor.u32 v3, v29  }
0x9d: {  	v13 =	vshra.s32 v24, $0x9;
	v29 =	vld.idx.msk [tilespmem:v21+s11+$0x0], $0xffff;
	v21 =	vand.u32 $0x1FFF0, v12;
	v12 =	vshll.u32 v27, $0x4  }
0x9e: {  	v13 =	vand.u32 $0xFFFFFFF0, v13;
	v35 =	vld.idx.msk [tilespmem:v23+s11+$0x0], $0xffff;
	v23 =	vshll.u32 v19, $0x4;
	v24 =	vand.u32 $0x1FFF0, v12  }
0x9f: {  	v12 =	vld.idx.msk [tilespmem:v16+s11+$0x0], $0xffff;
	v16 =	vmul.f32 v20, v22;
	v20 =	vshll.u32 v30, $0x4;
	v30 =	vshra.s32 v30, $0x9  }
0xa0: {  	v38 =	vor.u32 v3, v21;
	v37 =	vmul.f32 v17, v31;
	v36 =	vld [tilespmem:s21+$0xFFFFFFD0];
	v20 =	vand.u32 $0x1FFF0, v20  }
0xa1: {  	v39 =	vmul.f32 v18, v33;
	[tilespmem:v15+s15+$0x0] =	vst.idx.add.f32.msk $0xffff, v16;
	v15 =	vor.u32 v3, v20;
	v20 =	vshra.s32 v19, $0x9  }
0xa2: {  	v21 =	vmul.f32 v10, v32;
	v19 =	vand.u32 $0x1FFF0, v23;
	v16 =	vor.u32 v3, v24  }
0xa3: {  	v19 =	vor.u32 v3, v19;
	v23 =	vsub.f32 $0.0e+00, v29;
	v40 =	vand.u32 $0xFFFFFFF0, v20  }
0xa4: {  	v41 =	vsub.f32 $0.0e+00, v26;
	v32 =	vsub.f32 $0.0e+00, v32;
	v20 =	vmul.f32 v5, v35  }
0xa5: {  	v25 =	vshra.s32 v25, $0x9;
	v24 =	vmul.f32 v14, v29;
	v22 =	vmul.f32 v4, v12  }
.Ltmp4:
0xa6: {  	v29 =	vsub.f32 $0.0e+00, v31;
	v14 =	vmul.f32 v14, v23;
	v26 =	vmul.f32 v36, v26;
	(pc) =	sbr.rel @p1 .LBB2_11-.Ltmp4, $4  }
0xa7: {  	v31 =	vsub.f32 $0.0e+00, v33;
	v33 =	vand.u32 $0xFFFFFFF0, v25;
	v23 =	vmul.f32 v36, v41  }
0xa8: {  	v25 =	vmul.f32 v17, v29;
	v17 =	vor.u32 v3, v40;
	[tilespmem:v28+s15+$0x0] =	vst.idx.add.f32.msk $0xffff, v26;
	v28 =	vand.u32 $0xFFFFFFF0, v30  }
0xa9: {  	v29 =	vshra.s32 v27, $0x9;
	v26 =	vmul.f32 v18, v31;
	[tilespmem:v38+s15+$0x0] =	vst.idx.add.f32.msk $0xffff, v37;
	v18 =	vor.u32 v3, v28  }
0xaa: {  	v10 =	vmul.f32 v10, v32;
	v27 =	vor.u32 v3, v33;
	v28 =	vsub.f32 $0.0e+00, v35;
	[tilespmem:v34+s15+$0x0] =	vst.idx.add.f32.msk $0xffff, v39  }
0xab: {  	_ =	sdelay $0x3  }
0xac: {  	[tilespmem:v11+s15+$0x0] =	vst.idx.add.f32.msk $0xffff, v21  }
0xad: {  	v61 =	vor.u32 v3, v13;
	[tilespmem:v19+s15+$0x0] =	vst.idx.add.f32.msk $0xffff, v24  }
0xae: {  	v9 =	vor.u32 v3, v9;
	[tilespmem:v15+s15+$0x0] =	vst.idx.add.f32.msk $0xffff, v20  }
0xaf: {  	[tilespmem:v16+s15+$0x0] =	vst.idx.add.f32.msk $0xffff, v22  }
0xb0: {  	[tilespmem:v6+s15+$0x0] =	vst.idx.add.f32.msk $0xffff, v7  }
0xb1: {  	v62 =	vand.u32 $0xFFFFFFF0, v29;
	s19 =	sadd.s32 $0x1, s19;
	[tilespmem:v8+s15+$0x0] =	vst.idx.add.f32.msk $0xffff, v23  }
0xb2: {  	p1 =	sne.s32 s19, $0x8;
	v6 =	vor.u32 v3, v62;
	[tilespmem:v61+s15+$0x0] =	vst.idx.add.f32.msk $0xffff, v25  }
.Ltmp5:
0xb3: {  	v63 =	vsub.f32 $0.0e+00, v12;
	[tilespmem:v9+s15+$0x0] =	vst.idx.add.f32.msk $0xffff, v26;
	(pc) =	sbr.rel @p1 .LBB2_6-.Ltmp5, $4  }
0xb4: {  	v5 =	vmul.f32 v5, v28;
	[tilespmem:v27+s15+$0x0] =	vst.idx.add.f32.msk $0xffff, v10  }
0xb5: {  	v4 =	vmul.f32 v4, v63;
	[tilespmem:v17+s15+$0x0] =	vst.idx.add.f32.msk $0xffff, v14  }
0xb6: {  	[tilespmem:v18+s15+$0x0] =	vst.idx.add.f32.msk $0xffff, v5  }
0xb7: {  	p0 =	por !p0, !p0;
	[tilespmem:v6+s15+$0x0] =	vst.idx.add.f32.msk $0xffff, v4  }
0xb8: {  	s19 =	simm.s32 $0x0  }
0xb9: {  	v4 =	vld [tilespmem:s19+$0x9800];
	_ =	sdelay $0x1  }
0xba: {  	v5 =	vld [tilespmem:s19+$0x9810];
	_ =	sdelay $0x1  }
0xbb: {  	v6 =	vimm.f32 $0.0e+00;
	v7 =	vld [tilespmem:s19+$0x9820]  }
0xbc: {  	v4 =	vadd.f32 v4, v6  }
0xbd: {  	v6 =	vld [tilespmem:s19+$0x9830]  }
0xbe: {  	[tilespmem:s19+$0x9800] =	vst v4;
	v4 =	vadd.f32 v5, v4  }
0xbf: {  	v8 =	vld [tilespmem:s19+$0x9840]  }
0xc0: {  	v5 =	vadd.f32 v7, v4  }
0xc1: {  	[tilespmem:s19+$0x9810] =	vst v4;
	v4 =	vld [tilespmem:s19+$0x9850]  }
0xc2: {  	v6 =	vadd.f32 v6, v5  }
0xc3: {  	[tilespmem:s19+$0x9820] =	vst v5;
	v5 =	vld [tilespmem:s19+$0x9860]  }
0xc4: {  	v7 =	vadd.f32 v8, v6  }
0xc5: {  	s20 =	simm.s32 $0x200;
	[tilespmem:s19+$0x9830] =	vst v6;
	v6 =	vld [tilespmem:s19+$0x9870]  }
.LBB2_14:
0xc6: {  	s21 =	sshra.s32 s20, $0x2;
	p0 =	sne.s32 s20, $0x3FE00;
	[tilespmem:s19+$0x9840] =	vst v7;
	v4 =	vadd.f32 v4, v7  }
0xc7: {  	v7 =	vld [tilespmem:s21+$0x9800]  }
0xc8: {  	[tilespmem:s19+$0x9850] =	vst v4;
	v4 =	vadd.f32 v5, v4  }
0xc9: {  	v5 =	vld [tilespmem:s21+$0x9810]  }
0xca: {  	[tilespmem:s19+$0x9860] =	vst v4;
	v4 =	vadd.f32 v6, v4  }
0xcb: {  	v6 =	vld [tilespmem:s21+$0x9820]  }
0xcc: {  	v7 =	vadd.f32 v7, v4;
	[tilespmem:s19+$0x9870] =	vst v4;
	s19 =	smov.u32 s21  }
0xcd: {  	v8 =	vld [tilespmem:s19+$0x9830]  }
0xce: {  	[tilespmem:s19+$0x9800] =	vst v7;
	v4 =	vadd.f32 v5, v7  }
0xcf: {  	v7 =	vld [tilespmem:s19+$0x9840]  }
0xd0: {  	[tilespmem:s19+$0x9810] =	vst v4;
	v5 =	vadd.f32 v6, v4  }
.Ltmp6:
0xd1: {  	v4 =	vld [tilespmem:s19+$0x9850];
	(pc) =	sbr.rel @p0 .LBB2_14-.Ltmp6, $4  }
0xd2: {  	[tilespmem:s19+$0x9820] =	vst v5;
	v6 =	vadd.f32 v8, v5  }
0xd3: {  	v5 =	vld [tilespmem:s19+$0x9860]  }
0xd4: {  	[tilespmem:s19+$0x9830] =	vst v6;
	v7 =	vadd.f32 v7, v6  }
0xd5: {  	s20 =	sadd.s32 $0x200, s20;
	v6 =	vld [tilespmem:s19+$0x9870]  }
0xd6: {  	v4 =	vadd.f32 v4, v7;
	_ =	sdelay $0x1  }
0xd7: {  	v5 =	vadd.f32 v5, v4  }
0xd8: {  	[tilespmem:s19+$0x9840] =	vst v7  }
0xd9: {  	s18 =	sadd.s32 $0x1, s18;
	[tilespmem:s19+$0x9850] =	vst v4;
	v4 =	vadd.f32 v6, v5  }
0xda: {  	p0 =	sne.s32 s18, s8;
	[tilespmem:s19+$0x9860] =	vst v5  }
.Ltmp7:
0xdb: {  	[tilespmem:s19+$0x9870] =	vst v4;
	(pc) =	sbr.rel @p0 .LBB2_1-.Ltmp7, $4  }
0xdc: {  	[hbm4b:s7+s16] =	stream.strided.scatter [tilespmem:s15], [sflag:$0x2], $0x10000, s17, s16, $0x38;
	[tilespmem:$0x19880] =	vst v63  }
0xdd: {  	_ =	swait.ge [sflag:s9], $0x10000  }
0xde: {  	[sflag:s9] =	ssyncset.done $0x0  }
0xdf: {  	[sflag:s9] =	ssyncadd.s32 $0xFFFF0000  }
0xe0: {  	_ =	sfence.sel $0x180000  }
0xe1: {  	[bflag:$0x0] =	sbarrier.arrive $0xFFFF  }
0xe2: {  	p0 =	sne.s32 s4, $0x0;
	_ =	strace $0x90000047  }
0xe3: {  	s0 =	sadd.s32 @!p0 $0x100000, s0;
	[bflag:$0x2] =	sbarrier.arrive $0xFFFF  }
0xe4: {  	[sflag:s0] =	ssyncadd.tile.s32 @!p0 $0x1;
	_ =	shalt  }
.Lfunc_end2:
_tile_overlayer_lowered:
.L_overlay_start_2:
0xe5: {  	(tag) =	ssettag $0x2  }
0xe6: {  	s0 =	rddreg [dreg:$0x0];
	s2 =	stileid.u32  }
0xe7: {  	s1 =	rddreg [dreg:$0x1];
	p0 =	sne.s32 s2, $0x0  }
0xe8: {  	s3 =	rddreg [dreg:$0x2];
	[bflag:$0x3] =	sbarrier.arrive $0xFFFF;
	s2 =	simm.s32 @!p0 $0x1C02  }
0xe9: {  	[timem:s3], [sflag:s2] =	dma.local @!p0 [hbm:s0], s1  }
0xea: {  	s0 =	simm.s32 @!p0 $0x2  }
0xeb: {  	_ =	swait.ge @!p0 [sflag:s0], s1  }
0xec: {  	s1 =	ssub.s32 @!p0 $0x0, s1;
	[sflag:s0] =	ssyncset.done @!p0 $0x0  }
0xed: {  	[sflag:s0] =	ssyncadd.s32 @!p0 s1  }
0xee: {  	[bflag:$0x3] =	sbarrier.arrive $0xFFFF  }
0xef: {  	_ =	shalt  }

</sc_bundles>
